<compile_context>
chip_gen: v7x
topology: tpu7x:2x2x1
jax: 0.10.2.dev20260603
libtpu: 0.0.44.dev20260713+nightly
codegen_flags: <defaults>
</compile_context>

<pallas_src>
import jax
import jax.numpy as jnp
from jax import lax
from jax.experimental import pallas as pl
from jax.experimental.pallas import tpu as pltpu
from jax.experimental.pallas import tpu_sc as plsc

N_NODES = 10000
N_EDGES = 320000
D_IN = 128

ROW = 128
NROWS = N_EDGES // ROW
NC, NS = 2, 16
ROWS_PER_SC = NROWS // NC
RPT_BASE = ROWS_PER_SC // NS
RPT_EXTRA = ROWS_PER_SC % NS
MAX_RPT = RPT_BASE + 1

NPAD = 10240
NPT = NPAD // NS


def _stage1_body(x_ref, wh_ref, ws_ref, wd_ref, h_ref, as_ref, ad_ref):
    x = x_ref[...]
    h_ref[...] = jnp.dot(x, wh_ref[...], preferred_element_type=jnp.float32)
    as_ref[...] = jnp.dot(x, ws_ref[...], preferred_element_type=jnp.float32)
    ad_ref[...] = jnp.dot(x, wd_ref[...], preferred_element_type=jnp.float32)


def _stage1(x, wh, ws, wd):
    blk = 1000
    return pl.pallas_call(
        _stage1_body,
        grid=(N_NODES // blk,),
        in_specs=[
            pl.BlockSpec((blk, D_IN), lambda i: (i, 0)),
            pl.BlockSpec((D_IN, 64), lambda i: (0, 0)),
            pl.BlockSpec((D_IN, 16), lambda i: (0, 0)),
            pl.BlockSpec((D_IN, 16), lambda i: (0, 0)),
        ],
        out_specs=[
            pl.BlockSpec((blk, 64), lambda i: (i, 0)),
            pl.BlockSpec((blk, 16), lambda i: (i, 0)),
            pl.BlockSpec((blk, 16), lambda i: (i, 0)),
        ],
        out_shape=[
            jax.ShapeDtypeStruct((N_NODES, 64), jnp.float32),
            jax.ShapeDtypeStruct((N_NODES, 16), jnp.float32),
            jax.ShapeDtypeStruct((N_NODES, 16), jnp.float32),
        ],
    )(x, wh, ws, wd)


def _edge1_body(h_hbm, as_hbm, ad_hbm, src_hbm, dst_hbm, outh_hbm, outp_hbm,
                idx_s, idx_d, h_buf, as_buf, ad_buf, msg_buf, p_buf,
                acch, accp, sem, sem2, sem3):
    c = lax.axis_index("c")
    s = lax.axis_index("s")

    def _zb(i, _):
        for q in range(4):
            msg_buf[i, pl.ds(q * 16, 16)] = jnp.zeros((16,), jnp.float32)
        p_buf[i, :] = jnp.zeros((16,), jnp.float32)
        return 0
    lax.fori_loop(0, ROW, _zb, 0)
    row0 = s * NPT
    for k in range(NPT // ROW):
        pltpu.sync_copy(msg_buf, acch.at[pl.ds(row0 + k * ROW, ROW)])
        pltpu.sync_copy(p_buf, accp.at[pl.ds(row0 + k * ROW, ROW)])
    plsc.subcore_barrier()

    nrows = jnp.where(s < RPT_EXTRA, RPT_BASE + 1, RPT_BASE)
    base_row = c * ROWS_PER_SC + RPT_BASE * s + jnp.minimum(s, RPT_EXTRA)

    perm = lax.rem(lax.iota(jnp.int32, 16), 8)

    def _row(j, _):
        @pl.when(j < nrows)
        def _():
            r = base_row + j
            cp_s = pltpu.async_copy(src_hbm.at[r], idx_s, sem)
            cp_d = pltpu.async_copy(dst_hbm.at[r], idx_d, sem2)
            cp_s.wait()
            cp_d.wait()
            g1 = pltpu.async_copy(h_hbm.at[idx_s], h_buf, sem)
            g2 = pltpu.async_copy(as_hbm.at[idx_s], as_buf, sem2)
            g3 = pltpu.async_copy(ad_hbm.at[idx_d], ad_buf, sem3)
            g1.wait()
            g2.wait()
            g3.wait()

            def _edge(e, _):
                a_s = as_buf[e, :]
                a_d = ad_buf[e, :]
                al = a_s + a_d
                al = jnp.maximum(al, 0.2 * al)
                p = jnp.exp(al)
                pb = jnp.take_along_axis(p, perm, axis=0)
                for q in range(4):
                    msg_buf[e, pl.ds(q * 16, 16)] = (
                        h_buf[e, pl.ds(q * 16, 16)] * pb)
                p_buf[e, :] = p
                return 0
            lax.fori_loop(0, ROW, _edge, 0)
            pltpu.sync_copy(msg_buf, acch.at[idx_d], add=True)
            pltpu.sync_copy(p_buf, accp.at[idx_d], add=True)
        return 0
    lax.fori_loop(0, MAX_RPT, _row, 0)

    plsc.subcore_barrier()
    pltpu.sync_copy(acch.at[pl.ds(row0, NPT)],
                    outh_hbm.at[c].at[pl.ds(row0, NPT)])
    pltpu.sync_copy(accp.at[pl.ds(row0, NPT)],
                    outp_hbm.at[c].at[pl.ds(row0, NPT)])


def _edge1(h, a_s, a_d, src2d, dst2d):
    mesh = plsc.VectorSubcoreMesh(core_axis_name="c", subcore_axis_name="s")
    fn = pl.kernel(
        _edge1_body,
        out_type=[
            jax.ShapeDtypeStruct((NC, NPAD, 64), jnp.float32),
            jax.ShapeDtypeStruct((NC, NPAD, 16), jnp.float32),
        ],
        mesh=mesh,
        compiler_params=pltpu.CompilerParams(use_tc_tiling_on_sc=False, needs_layout_passes=False),
        scratch_types=[
            pltpu.VMEM((ROW,), jnp.int32),
            pltpu.VMEM((ROW,), jnp.int32),
            pltpu.VMEM((ROW, 64), jnp.float32),
            pltpu.VMEM((ROW, 16), jnp.float32),
            pltpu.VMEM((ROW, 16), jnp.float32),
            pltpu.VMEM((ROW, 64), jnp.float32),
            pltpu.VMEM((ROW, 16), jnp.float32),
            pltpu.VMEM_SHARED((NPAD, 64), jnp.float32),
            pltpu.VMEM_SHARED((NPAD, 16), jnp.float32),
            pltpu.SemaphoreType.DMA,
            pltpu.SemaphoreType.DMA,
            pltpu.SemaphoreType.DMA,
        ],
    )
    return fn(h, a_s, a_d, src2d, dst2d)


def _stage3_body(ah_ref, ap_ref, b1t_ref, p2_ref, o_ref):
    num = ah_ref[0] + ah_ref[1]
    pacc = ap_ref[0] + ap_ref[1]
    den = pacc[:, 0:8] + 1e-16
    den_t = jnp.concatenate([den] * 8, axis=1)
    o = num / den_t + b1t_ref[...]
    o = jnp.where(o > 0, o, jnp.exp(o) - 1.0)
    o_ref[...] = jnp.dot(o, p2_ref[...], preferred_element_type=jnp.float32)


def _stage3(acch, accp, b1t, p2c):
    blk = 640
    return pl.pallas_call(
        _stage3_body,
        grid=(NPAD // blk,),
        in_specs=[
            pl.BlockSpec((NC, blk, 64), lambda i: (0, i, 0)),
            pl.BlockSpec((NC, blk, 16), lambda i: (0, i, 0)),
            pl.BlockSpec((1, 64), lambda i: (0, 0)),
            pl.BlockSpec((64, 4), lambda i: (0, 0)),
        ],
        out_specs=pl.BlockSpec((blk, 4), lambda i: (i, 0)),
        out_shape=jax.ShapeDtypeStruct((NPAD, 4), jnp.float32),
    )(acch, accp, b1t, p2c)


def _edge2_body(t2_hbm, src_hbm, dst_hbm, out_hbm,
                tab, idx_s, idx_d, dbuf, ibuf, zbuf, accf, sem, sem2):
    c = lax.axis_index("c")
    s = lax.axis_index("s")

    def _zb(i, _):
        zbuf[pl.ds(i * 16, 16)] = jnp.zeros((16,), jnp.float32)
        return 0
    lax.fori_loop(0, 128, _zb, 0)
    base0 = s * NPT * 16
    for k in range(NPT * 16 // 2048):
        pltpu.sync_copy(zbuf, accf.at[pl.ds(base0 + k * 2048, 2048)])
    pltpu.sync_copy(t2_hbm, tab)
    plsc.subcore_barrier()

    nrows = jnp.where(s < RPT_EXTRA, RPT_BASE + 1, RPT_BASE)
    base_row = c * ROWS_PER_SC + RPT_BASE * s + jnp.minimum(s, RPT_EXTRA)

    def _row(j, _):
        @pl.when(j < nrows)
        def _():
            r = base_row + j
            cp_s = pltpu.async_copy(src_hbm.at[r], idx_s, sem)
            cp_d = pltpu.async_copy(dst_hbm.at[r], idx_d, sem2)
            cp_s.wait()
            cp_d.wait()
            for g in range(ROW // 16):
                s16 = idx_s[pl.ds(g * 16, 16)]
                d16 = idx_d[pl.ds(g * 16, 16)]
                bs = s16 * 4
                h0 = plsc.load_gather(tab, [bs])
                h1 = plsc.load_gather(tab, [bs + 1])
                a_s = plsc.load_gather(tab, [bs + 2])
                a_d = plsc.load_gather(tab, [d16 * 4 + 3])
                al = a_s + a_d
                al = jnp.maximum(al, 0.2 * al)
                p = jnp.exp(al)
                bd = d16 * 16
                dbuf[0, pl.ds(g * 16, 16)] = p * h0
                dbuf[1, pl.ds(g * 16, 16)] = p * h1
                dbuf[2, pl.ds(g * 16, 16)] = p
                ibuf[0, pl.ds(g * 16, 16)] = bd
                ibuf[1, pl.ds(g * 16, 16)] = bd + 1
                ibuf[2, pl.ds(g * 16, 16)] = bd + 2
            for q in range(3):
                pltpu.sync_copy(dbuf.at[q], accf.at[ibuf.at[q]], add=True)
        return 0
    lax.fori_loop(0, MAX_RPT, _row, 0)

    plsc.subcore_barrier()
    pltpu.sync_copy(accf.at[pl.ds(base0, NPT * 16)],
                    out_hbm.at[c].at[pl.ds(base0, NPT * 16)])


def _edge2(t2f, src2d, dst2d):
    mesh = plsc.VectorSubcoreMesh(core_axis_name="c", subcore_axis_name="s")
    fn = pl.kernel(
        _edge2_body,
        out_type=jax.ShapeDtypeStruct((NC, NPAD * 16), jnp.float32),
        mesh=mesh,
        compiler_params=pltpu.CompilerParams(use_tc_tiling_on_sc=False, needs_layout_passes=False),
        scratch_types=[
            pltpu.VMEM((NPAD * 4,), jnp.float32),
            pltpu.VMEM((ROW,), jnp.int32),
            pltpu.VMEM((ROW,), jnp.int32),
            pltpu.VMEM((3, ROW), jnp.float32),
            pltpu.VMEM((3, ROW), jnp.int32),
            pltpu.VMEM((2048,), jnp.float32),
            pltpu.VMEM_SHARED((NPAD * 16,), jnp.float32),
            pltpu.SemaphoreType.DMA,
            pltpu.SemaphoreType.DMA,
        ],
    )
    return fn(t2f, src2d, dst2d)


def _stage5_body(a_ref, b2_ref, o_ref):
    sacc = a_ref[0] + a_ref[1]
    den = sacc[:, 2:3] + 1e-16
    o = sacc[:, 0:2] / den + b2_ref[...]
    m = jnp.max(o, axis=1, keepdims=True)
    z = o - m
    o_ref[...] = z - jnp.log(jnp.sum(jnp.exp(z), axis=1, keepdims=True))


def _stage5(acc2, b2):
    blk = 640
    return pl.pallas_call(
        _stage5_body,
        grid=(NPAD // blk,),
        in_specs=[
            pl.BlockSpec((NC, blk, 16), lambda i: (0, i, 0)),
            pl.BlockSpec((1, 2), lambda i: (0, 0)),
        ],
        out_specs=pl.BlockSpec((blk, 2), lambda i: (i, 0)),
        out_shape=jax.ShapeDtypeStruct((NPAD, 2), jnp.float32),
    )(acc2, b2)


@jax.jit
def kernel(x, adjacency, W1, att_src1, att_dst1, b1, W2, att_src2,
           att_dst2, b2):
    t = jnp.arange(64)
    perm = (t % 8) * 8 + t // 8
    w1t = W1[:, perm]
    b1t = b1[perm].reshape(1, 64)
    wa_src = (W1.reshape(D_IN, 8, 8) * att_src1[None]).sum(-1)
    wa_dst = (W1.reshape(D_IN, 8, 8) * att_dst1[None]).sum(-1)
    ws = jnp.concatenate([wa_src, wa_src], axis=1)
    wd = jnp.concatenate([wa_dst, wa_dst], axis=1)
    w2p = W2[perm, :]
    va = w2p @ att_src2[0]
    vb = w2p @ att_dst2[0]
    p2c = jnp.concatenate([w2p, va[:, None], vb[:, None]], axis=1)
    b2r = b2.reshape(1, 2)

    src2d = adjacency[0].reshape(NROWS, ROW)
    dst2d = adjacency[1].reshape(NROWS, ROW)

    h, a_s, a_d = _stage1(x, w1t, ws, wd)
    acch, accp = _edge1(h, a_s, a_d, src2d, dst2d)
    t2c = _stage3(acch, accp, b1t, p2c)
    acc2 = _edge2(t2c.reshape(-1), src2d, dst2d)
    return _stage5(acc2.reshape(NC, NPAD, 16), b2r)[:N_NODES]

# --- scband reference (transcript-rebuilt; emitter-appended) ---
"""Pipeline reference for scband-gat-83459804495959 (READ-ONLY COPY).

The authoritative reference and input builder live on the scoring server;
editing this copy changes nothing except your own understanding.
"""

import jax, jax.numpy as jnp
import numpy as np

N_NODES = 10000
N_EDGES = 320000
D_IN = 128
HID = 8
HEADS = 8
OUT_CH = 2


def setup_inputs(seed: int = 0) -> dict:
    key = jax.random.key(seed)
    ks = jax.random.split(key, 12)
    x = jax.random.normal(ks[0], (N_NODES, D_IN), dtype=jnp.float32)
    adjacency = jax.random.randint(ks[1], (2, N_EDGES), 0, N_NODES, dtype=jnp.int64 if jax.config.jax_enable_x64 else jnp.int32).astype(jnp.int32)
    W1 = jax.random.normal(ks[2], (D_IN, HEADS * HID), dtype=jnp.float32) * 0.1
    att_src1 = jax.random.normal(ks[3], (HEADS, HID), dtype=jnp.float32) * 0.1
    att_dst1 = jax.random.normal(ks[4], (HEADS, HID), dtype=jnp.float32) * 0.1
    b1 = jnp.zeros((HEADS * HID,), dtype=jnp.float32)
    W2 = jax.random.normal(ks[5], (HEADS * HID, 1 * OUT_CH), dtype=jnp.float32) * 0.1
    att_src2 = jax.random.normal(ks[6], (1, OUT_CH), dtype=jnp.float32) * 0.1
    att_dst2 = jax.random.normal(ks[7], (1, OUT_CH), dtype=jnp.float32) * 0.1
    b2 = jnp.zeros((OUT_CH,), dtype=jnp.float32)
    return {"x": x, "adjacency": adjacency, "W1": W1, "att_src1": att_src1,
            "att_dst1": att_dst1, "b1": b1, "W2": W2, "att_src2": att_src2,
            "att_dst2": att_dst2, "b2": b2}


def _gat_conv(x, edge_index, W, att_src, att_dst, bias, heads, out_ch, concat):
    N = x.shape[0]
    h = (x @ W).reshape(N, heads, out_ch)
    a_src = jnp.sum(h * att_src[None, :, :], axis=-1)  # [N, H]
    a_dst = jnp.sum(h * att_dst[None, :, :], axis=-1)  # [N, H]
    src = edge_index[0]
    dst = edge_index[1]
    alpha = a_src[src] + a_dst[dst]                    # [E, H]
    alpha = jax.nn.leaky_relu(alpha, negative_slope=0.2)
    m = jax.ops.segment_max(alpha, dst, num_segments=N)
    m = jnp.where(jnp.isfinite(m), m, 0.0)
    alpha = jnp.exp(alpha - m[dst])
    denom = jax.ops.segment_sum(alpha, dst, num_segments=N)
    alpha = alpha / (denom[dst] + 1e-16)
    msg = h[src] * alpha[:, :, None]                   # [E, H, C]
    out = jax.ops.segment_sum(msg, dst, num_segments=N)
    if concat:
        out = out.reshape(N, heads * out_ch)
    else:
        out = jnp.mean(out, axis=1)
    return out + bias


def reference(x, adjacency, W1, att_src1, att_dst1, b1, W2, att_src2, att_dst2, b2):
    # eval mode: dropout is identity
    h = _gat_conv(x, adjacency, W1, att_src1, att_dst1, b1, HEADS, HID, True)
    h = jax.nn.elu(h)
    h = _gat_conv(h, adjacency, W2, att_src2, att_dst2, b2, 1, OUT_CH, False)
    return jax.nn.log_softmax(h, axis=1)

if __name__ == "__main__":
    import jax
    _d = setup_inputs()
    print(jax.jit(kernel)(*tuple(_d.values())))

</pallas_src>

<mosaic_0001>
#map = affine_map<(d0, d1) -> (0)>
#map1 = affine_map<(d0, d1) -> (0, 0)>
module attributes {stable_mosaic.version = 14 : i64} {
  func.func @_edge2_body(%arg0: i32, %arg1: i32, %arg2: memref<40960xf32, #tpu.memory_space<hbm>>, %arg3: memref<2500x128xi32, #tpu.memory_space<hbm>>, %arg4: memref<2500x128xi32, #tpu.memory_space<hbm>>, %arg5: memref<2x163840xf32, #tpu.memory_space<hbm>>, %arg6: memref<40960xf32, #tpu.memory_space<vmem>>, %arg7: memref<128xi32, #tpu.memory_space<vmem>>, %arg8: memref<128xi32, #tpu.memory_space<vmem>>, %arg9: memref<3x128xf32, #tpu.memory_space<vmem>>, %arg10: memref<3x128xi32, #tpu.memory_space<vmem>>, %arg11: memref<2048xf32, #tpu.memory_space<vmem>>, %arg12: memref<163840xf32, #tpu.memory_space<vmem_shared>>, %arg13: memref<!tpu.dma_semaphore, #tpu.memory_space<semaphore_mem>>, %arg14: memref<!tpu.dma_semaphore, #tpu.memory_space<semaphore_mem>>) attributes {dimension_semantics = [#tpu.dimension_semantics<core_parallel>, #tpu.dimension_semantics<subcore_parallel>], iteration_bounds = array<i64: 2, 16>, scalar_prefetch = 0 : i64, scratch_operands = 9 : i64, tpu.core_type = #tpu.core_type<sc_vector_subcore>, window_params = [{transform_indices = #map}, {transform_indices = #map1}, {transform_indices = #map1}, {transform_indices = #map1}]} {
    %scan3A = arith.constant 0 : i32
    %scan3A_0 = arith.constant 0 : i32
    %scan3A_1 = arith.constant 128 : i32
    %scan3A_2 = arith.addi %scan3A_0, %scan3A_1 : i32
    %scan3A_3 = arith.constant 1 : i32
    %scan3A_4 = scf.for %scan3A_35 = %scan3A_0 to %scan3A_2 step %scan3A_3 iter_args(%scan3A_36 = %scan3A) -> (i32)  : i32 {
      %broadcast_in_dim3A = arith.constant 0.000000e+00 : f32
      %broadcast_in_dim3A_37 = vector.broadcast %broadcast_in_dim3A : f32 to vector<16xf32>
      %mul3A_38 = arith.constant 16 : i32
      %mul3A_39 = arith.muli %scan3A_35, %mul3A_38 : i32
      %swap3A = arith.index_cast %mul3A_39 : i32 to index
      %swap3A_40 = tpu.vector_load %arg11[%swap3A] {strides = array<i32>} : memref<2048xf32, #tpu.memory_space<vmem>>, vector<16xf32>,
      tpu.vector_store %arg11[%swap3A], %broadcast_in_dim3A_37 {strides = array<i32>} : memref<2048xf32, #tpu.memory_space<vmem>>, vector<16xf32>,
      %scan3A_41 = arith.constant 0 : i32
      scf.yield %scan3A_41 : i32
    }
    %scan3A_5 = arith.constant 128 : i32
    %mul3A = arith.constant 640 : i32
    %mul3A_6 = arith.muli %arg1, %mul3A : i32
    %mul3A_7 = arith.constant 16 : i32
    %mul3A_8 = arith.muli %mul3A_6, %mul3A_7 : i32
    %add3A = arith.constant 0 : i32
    %add3A_9 = arith.addi %mul3A_8, %add3A : i32
    "tpu.region"() ({
      %run_scoped3A = tpu.sem_alloc : memref<!tpu.dma_semaphore, #tpu.memory_space<semaphore_mem>>
      %dma_start3A = tpu.memref_slice %arg12[%add3A_9] : memref<163840xf32, #tpu.memory_space<vmem_shared>> -> memref<2048xf32, #tpu.memory_space<vmem_shared>>
      %dma_start3A_35 = tpu.memref_slice %arg12[%add3A_9] : memref<163840xf32, #tpu.memory_space<vmem_shared>> -> memref<2048xf32, #tpu.memory_space<vmem_shared>>
      tpu.enqueue_dma source(%arg11 : memref<2048xf32, #tpu.memory_space<vmem>>) target(%dma_start3A_35 : memref<2048xf32, #tpu.memory_space<vmem_shared>>) target_semaphore(%run_scoped3A : memref<!tpu.dma_semaphore, #tpu.memory_space<semaphore_mem>>)
      %dma_wait3A = tpu.memref_slice %arg12[%add3A_9] : memref<163840xf32, #tpu.memory_space<vmem_shared>> -> memref<2048xf32, #tpu.memory_space<vmem_shared>>
      %dma_wait3A_36 = tpu.memref_slice %arg12[%add3A_9] : memref<163840xf32, #tpu.memory_space<vmem_shared>> -> memref<2048xf32, #tpu.memory_space<vmem_shared>>
      tpu.wait_dma2 semaphore(%run_scoped3A : memref<!tpu.dma_semaphore, #tpu.memory_space<semaphore_mem>>) src(%arg11 : memref<2048xf32, #tpu.memory_space<vmem>>) dst(%dma_wait3A_36 : memref<2048xf32, #tpu.memory_space<vmem_shared>>)
      tpu.yield
    }) : () -> ()
    %add3A_10 = arith.constant 2048 : i32
    %add3A_11 = arith.addi %mul3A_8, %add3A_10 : i32
    "tpu.region"() ({
      %run_scoped3A = tpu.sem_alloc : memref<!tpu.dma_semaphore, #tpu.memory_space<semaphore_mem>>
      %dma_start3A = tpu.memref_slice %arg12[%add3A_11] : memref<163840xf32, #tpu.memory_space<vmem_shared>> -> memref<2048xf32, #tpu.memory_space<vmem_shared>>
      %dma_start3A_35 = tpu.memref_slice %arg12[%add3A_11] : memref<163840xf32, #tpu.memory_space<vmem_shared>> -> memref<2048xf32, #tpu.memory_space<vmem_shared>>
      tpu.enqueue_dma source(%arg11 : memref<2048xf32, #tpu.memory_space<vmem>>) target(%dma_start3A_35 : memref<2048xf32, #tpu.memory_space<vmem_shared>>) target_semaphore(%run_scoped3A : memref<!tpu.dma_semaphore, #tpu.memory_space<semaphore_mem>>)
      %dma_wait3A = tpu.memref_slice %arg12[%add3A_11] : memref<163840xf32, #tpu.memory_space<vmem_shared>> -> memref<2048xf32, #tpu.memory_space<vmem_shared>>
      %dma_wait3A_36 = tpu.memref_slice %arg12[%add3A_11] : memref<163840xf32, #tpu.memory_space<vmem_shared>> -> memref<2048xf32, #tpu.memory_space<vmem_shared>>
      tpu.wait_dma2 semaphore(%run_scoped3A : memref<!tpu.dma_semaphore, #tpu.memory_space<semaphore_mem>>) src(%arg11 : memref<2048xf32, #tpu.memory_space<vmem>>) dst(%dma_wait3A_36 : memref<2048xf32, #tpu.memory_space<vmem_shared>>)
      tpu.yield
    }) : () -> ()
    %add3A_12 = arith.constant 4096 : i32
    %add3A_13 = arith.addi %mul3A_8, %add3A_12 : i32
    "tpu.region"() ({
      %run_scoped3A = tpu.sem_alloc : memref<!tpu.dma_semaphore, #tpu.memory_space<semaphore_mem>>
      %dma_start3A = tpu.memref_slice %arg12[%add3A_13] : memref<163840xf32, #tpu.memory_space<vmem_shared>> -> memref<2048xf32, #tpu.memory_space<vmem_shared>>
      %dma_start3A_35 = tpu.memref_slice %arg12[%add3A_13] : memref<163840xf32, #tpu.memory_space<vmem_shared>> -> memref<2048xf32, #tpu.memory_space<vmem_shared>>
      tpu.enqueue_dma source(%arg11 : memref<2048xf32, #tpu.memory_space<vmem>>) target(%dma_start3A_35 : memref<2048xf32, #tpu.memory_space<vmem_shared>>) target_semaphore(%run_scoped3A : memref<!tpu.dma_semaphore, #tpu.memory_space<semaphore_mem>>)
      %dma_wait3A = tpu.memref_slice %arg12[%add3A_13] : memref<163840xf32, #tpu.memory_space<vmem_shared>> -> memref<2048xf32, #tpu.memory_space<vmem_shared>>
      %dma_wait3A_36 = tpu.memref_slice %arg12[%add3A_13] : memref<163840xf32, #tpu.memory_space<vmem_shared>> -> memref<2048xf32, #tpu.memory_space<vmem_shared>>
      tpu.wait_dma2 semaphore(%run_scoped3A : memref<!tpu.dma_semaphore, #tpu.memory_space<semaphore_mem>>) src(%arg11 : memref<2048xf32, #tpu.memory_space<vmem>>) dst(%dma_wait3A_36 : memref<2048xf32, #tpu.memory_space<vmem_shared>>)
      tpu.yield
    }) : () -> ()
    %add3A_14 = arith.constant 6144 : i32
    %add3A_15 = arith.addi %mul3A_8, %add3A_14 : i32
    "tpu.region"() ({
      %run_scoped3A = tpu.sem_alloc : memref<!tpu.dma_semaphore, #tpu.memory_space<semaphore_mem>>
      %dma_start3A = tpu.memref_slice %arg12[%add3A_15] : memref<163840xf32, #tpu.memory_space<vmem_shared>> -> memref<2048xf32, #tpu.memory_space<vmem_shared>>
      %dma_start3A_35 = tpu.memref_slice %arg12[%add3A_15] : memref<163840xf32, #tpu.memory_space<vmem_shared>> -> memref<2048xf32, #tpu.memory_space<vmem_shared>>
      tpu.enqueue_dma source(%arg11 : memref<2048xf32, #tpu.memory_space<vmem>>) target(%dma_start3A_35 : memref<2048xf32, #tpu.memory_space<vmem_shared>>) target_semaphore(%run_scoped3A : memref<!tpu.dma_semaphore, #tpu.memory_space<semaphore_mem>>)
      %dma_wait3A = tpu.memref_slice %arg12[%add3A_15] : memref<163840xf32, #tpu.memory_space<vmem_shared>> -> memref<2048xf32, #tpu.memory_space<vmem_shared>>
      %dma_wait3A_36 = tpu.memref_slice %arg12[%add3A_15] : memref<163840xf32, #tpu.memory_space<vmem_shared>> -> memref<2048xf32, #tpu.memory_space<vmem_shared>>
      tpu.wait_dma2 semaphore(%run_scoped3A : memref<!tpu.dma_semaphore, #tpu.memory_space<semaphore_mem>>) src(%arg11 : memref<2048xf32, #tpu.memory_space<vmem>>) dst(%dma_wait3A_36 : memref<2048xf32, #tpu.memory_space<vmem_shared>>)
      tpu.yield
    }) : () -> ()
    %add3A_16 = arith.constant 8192 : i32
    %add3A_17 = arith.addi %mul3A_8, %add3A_16 : i32
    "tpu.region"() ({
      %run_scoped3A = tpu.sem_alloc : memref<!tpu.dma_semaphore, #tpu.memory_space<semaphore_mem>>
      %dma_start3A = tpu.memref_slice %arg12[%add3A_17] : memref<163840xf32, #tpu.memory_space<vmem_shared>> -> memref<2048xf32, #tpu.memory_space<vmem_shared>>
      %dma_start3A_35 = tpu.memref_slice %arg12[%add3A_17] : memref<163840xf32, #tpu.memory_space<vmem_shared>> -> memref<2048xf32, #tpu.memory_space<vmem_shared>>
      tpu.enqueue_dma source(%arg11 : memref<2048xf32, #tpu.memory_space<vmem>>) target(%dma_start3A_35 : memref<2048xf32, #tpu.memory_space<vmem_shared>>) target_semaphore(%run_scoped3A : memref<!tpu.dma_semaphore, #tpu.memory_space<semaphore_mem>>)
      %dma_wait3A = tpu.memref_slice %arg12[%add3A_17] : memref<163840xf32, #tpu.memory_space<vmem_shared>> -> memref<2048xf32, #tpu.memory_space<vmem_shared>>
      %dma_wait3A_36 = tpu.memref_slice %arg12[%add3A_17] : memref<163840xf32, #tpu.memory_space<vmem_shared>> -> memref<2048xf32, #tpu.memory_space<vmem_shared>>
      tpu.wait_dma2 semaphore(%run_scoped3A : memref<!tpu.dma_semaphore, #tpu.memory_space<semaphore_mem>>) src(%arg11 : memref<2048xf32, #tpu.memory_space<vmem>>) dst(%dma_wait3A_36 : memref<2048xf32, #tpu.memory_space<vmem_shared>>)
      tpu.yield
    }) : () -> ()
    "tpu.region"() ({
      %run_scoped3A = tpu.sem_alloc : memref<!tpu.dma_semaphore, #tpu.memory_space<semaphore_mem>>
      tpu.enqueue_dma source(%arg2 : memref<40960xf32, #tpu.memory_space<hbm>>) target(%arg6 : memref<40960xf32, #tpu.memory_space<vmem>>) target_semaphore(%run_scoped3A : memref<!tpu.dma_semaphore, #tpu.memory_space<semaphore_mem>>)
      tpu.wait_dma2 semaphore(%run_scoped3A : memref<!tpu.dma_semaphore, #tpu.memory_space<semaphore_mem>>) src(%arg2 : memref<40960xf32, #tpu.memory_space<hbm>>) dst(%arg6 : memref<40960xf32, #tpu.memory_space<vmem>>)
      tpu.yield
    }) : () -> ()
    %barrier3A = arith.constant 0 : index
    tpu.barrier barrier_id(%barrier3A)
    %lt3A = arith.constant 2 : i32
    %lt3A_18 = arith.cmpi slt, %arg1, %lt3A : i32
    %jit3A = arith.constant 79 : i32
    %jit3A_19 = arith.constant 78 : i32
    %select_n3A = arith.select %lt3A_18, %jit3A, %jit3A_19 : i32
    %mul3A_20 = arith.constant 1250 : i32
    %mul3A_21 = arith.muli %arg0, %mul3A_20 : i32
    %mul3A_22 = arith.constant 78 : i32
    %mul3A_23 = arith.muli %mul3A_22, %arg1 : i32
    %add3A_24 = arith.addi %mul3A_21, %mul3A_23 : i32
    %min3A = arith.constant 2 : i32
    %min3A_25 = arith.minsi %arg1, %min3A : i32
    %add3A_26 = arith.addi %add3A_24, %min3A_25 : i32
    %scan3A_27 = arith.constant 0 : i32
    %scan3A_28 = arith.constant 0 : i32
    %scan3A_29 = arith.constant 79 : i32
    %scan3A_30 = arith.addi %scan3A_28, %scan3A_29 : i32
    %scan3A_31 = arith.constant 1 : i32
    %scan3A_32 = scf.for %scan3A_35 = %scan3A_28 to %scan3A_30 step %scan3A_31 iter_args(%scan3A_36 = %scan3A_27) -> (i32)  : i32 {
      %lt3A_37 = arith.cmpi slt, %scan3A_35, %select_n3A : i32
      %convert_element_type3A = arith.extui %lt3A_37 : i1 to i32
      %cond3A = arith.constant 0 : i32
      %cond3A_38 = arith.cmpi ne, %convert_element_type3A, %cond3A : i32
      scf.if %cond3A_38 {
        %add3A_40 = arith.addi %add3A_26, %scan3A_35 : i32
        %dma_start3A = arith.constant 0 : i32
        %dma_start3A_41 = tpu.memref_slice %arg3[%add3A_40, %dma_start3A] : memref<2500x128xi32, #tpu.memory_space<hbm>> -> memref<1x128xi32, #tpu.memory_space<hbm>>
        %dma_start3A_42 = tpu.memref_squeeze %dma_start3A_41 : memref<1x128xi32, #tpu.memory_space<hbm>> -> memref<128xi32, #tpu.memory_space<hbm>>
        %dma_start3A_43 = arith.constant 0 : i32
        %dma_start3A_44 = tpu.memref_slice %arg3[%add3A_40, %dma_start3A_43] : memref<2500x128xi32, #tpu.memory_space<hbm>> -> memref<1x128xi32, #tpu.memory_space<hbm>>
        %dma_start3A_45 = tpu.memref_squeeze %dma_start3A_44 : memref<1x128xi32, #tpu.memory_space<hbm>> -> memref<128xi32, #tpu.memory_space<hbm>>
        tpu.enqueue_dma source(%dma_start3A_45 : memref<128xi32, #tpu.memory_space<hbm>>) target(%arg7 : memref<128xi32, #tpu.memory_space<vmem>>) target_semaphore(%arg13 : memref<!tpu.dma_semaphore, #tpu.memory_space<semaphore_mem>>)
        %dma_start3A_46 = arith.constant 0 : i32
        %dma_start3A_47 = tpu.memref_slice %arg4[%add3A_40, %dma_start3A_46] : memref<2500x128xi32, #tpu.memory_space<hbm>> -> memref<1x128xi32, #tpu.memory_space<hbm>>
        %dma_start3A_48 = tpu.memref_squeeze %dma_start3A_47 : memref<1x128xi32, #tpu.memory_space<hbm>> -> memref<128xi32, #tpu.memory_space<hbm>>
        %dma_start3A_49 = arith.constant 0 : i32
        %dma_start3A_50 = tpu.memref_slice %arg4[%add3A_40, %dma_start3A_49] : memref<2500x128xi32, #tpu.memory_space<hbm>> -> memref<1x128xi32, #tpu.memory_space<hbm>>
        %dma_start3A_51 = tpu.memref_squeeze %dma_start3A_50 : memref<1x128xi32, #tpu.memory_space<hbm>> -> memref<128xi32, #tpu.memory_space<hbm>>
        tpu.enqueue_dma source(%dma_start3A_51 : memref<128xi32, #tpu.memory_space<hbm>>) target(%arg8 : memref<128xi32, #tpu.memory_space<vmem>>) target_semaphore(%arg14 : memref<!tpu.dma_semaphore, #tpu.memory_space<semaphore_mem>>)
        %dma_wait3A = arith.constant 0 : i32
        %dma_wait3A_52 = tpu.memref_slice %arg3[%add3A_40, %dma_wait3A] : memref<2500x128xi32, #tpu.memory_space<hbm>> -> memref<1x128xi32, #tpu.memory_space<hbm>>
        %dma_wait3A_53 = tpu.memref_squeeze %dma_wait3A_52 : memref<1x128xi32, #tpu.memory_space<hbm>> -> memref<128xi32, #tpu.memory_space<hbm>>
        %dma_wait3A_54 = arith.constant 0 : i32
        %dma_wait3A_55 = tpu.memref_slice %arg3[%add3A_40, %dma_wait3A_54] : memref<2500x128xi32, #tpu.memory_space<hbm>> -> memref<1x128xi32, #tpu.memory_space<hbm>>
        %dma_wait3A_56 = tpu.memref_squeeze %dma_wait3A_55 : memref<1x128xi32, #tpu.memory_space<hbm>> -> memref<128xi32, #tpu.memory_space<hbm>>
        tpu.wait_dma2 semaphore(%arg13 : memref<!tpu.dma_semaphore, #tpu.memory_space<semaphore_mem>>) src(%dma_wait3A_56 : memref<128xi32, #tpu.memory_space<hbm>>) dst(%arg7 : memref<128xi32, #tpu.memory_space<vmem>>)
        %dma_wait3A_57 = arith.constant 0 : i32
        %dma_wait3A_58 = tpu.memref_slice %arg4[%add3A_40, %dma_wait3A_57] : memref<2500x128xi32, #tpu.memory_space<hbm>> -> memref<1x128xi32, #tpu.memory_space<hbm>>
        %dma_wait3A_59 = tpu.memref_squeeze %dma_wait3A_58 : memref<1x128xi32, #tpu.memory_space<hbm>> -> memref<128xi32, #tpu.memory_space<hbm>>
        %dma_wait3A_60 = arith.constant 0 : i32
        %dma_wait3A_61 = tpu.memref_slice %arg4[%add3A_40, %dma_wait3A_60] : memref<2500x128xi32, #tpu.memory_space<hbm>> -> memref<1x128xi32, #tpu.memory_space<hbm>>
        %dma_wait3A_62 = tpu.memref_squeeze %dma_wait3A_61 : memref<1x128xi32, #tpu.memory_space<hbm>> -> memref<128xi32, #tpu.memory_space<hbm>>
        tpu.wait_dma2 semaphore(%arg14 : memref<!tpu.dma_semaphore, #tpu.memory_space<semaphore_mem>>) src(%dma_wait3A_62 : memref<128xi32, #tpu.memory_space<hbm>>) dst(%arg8 : memref<128xi32, #tpu.memory_space<vmem>>)
        %get3A = arith.constant 0 : index
        %get3A_63 = tpu.vector_load %arg7[%get3A] {strides = array<i32>} : memref<128xi32, #tpu.memory_space<vmem>>, vector<16xi32>,
        %get3A_64 = arith.constant 0 : index
        %get3A_65 = tpu.vector_load %arg8[%get3A_64] {strides = array<i32>} : memref<128xi32, #tpu.memory_space<vmem>>, vector<16xi32>,
        %mul3A_66 = arith.constant 4 : i32
        %mul3A_67 = vector.broadcast %mul3A_66 : i32 to vector<16xi32>
        %mul3A_68 = arith.muli %get3A_63, %mul3A_67 : vector<16xi32>
        %gather3A = tpu.vector_load_idx %arg6[%mul3A_68] : memref<40960xf32, #tpu.memory_space<vmem>>[vector<16xi32>], vector<16xf32>,
        %add3A_69 = arith.constant 1 : i32
        %add3A_70 = vector.broadcast %add3A_69 : i32 to vector<16xi32>
        %add3A_71 = arith.addi %mul3A_68, %add3A_70 : vector<16xi32>
        %gather3A_72 = tpu.vector_load_idx %arg6[%add3A_71] : memref<40960xf32, #tpu.memory_space<vmem>>[vector<16xi32>], vector<16xf32>,
        %add3A_73 = arith.constant 2 : i32
        %add3A_74 = vector.broadcast %add3A_73 : i32 to vector<16xi32>
        %add3A_75 = arith.addi %mul3A_68, %add3A_74 : vector<16xi32>
        %gather3A_76 = tpu.vector_load_idx %arg6[%add3A_75] : memref<40960xf32, #tpu.memory_space<vmem>>[vector<16xi32>], vector<16xf32>,
        %mul3A_77 = arith.constant 4 : i32
        %mul3A_78 = vector.broadcast %mul3A_77 : i32 to vector<16xi32>
        %mul3A_79 = arith.muli %get3A_65, %mul3A_78 : vector<16xi32>
        %add3A_80 = arith.constant 3 : i32
        %add3A_81 = vector.broadcast %add3A_80 : i32 to vector<16xi32>
        %add3A_82 = arith.addi %mul3A_79, %add3A_81 : vector<16xi32>
        %gather3A_83 = tpu.vector_load_idx %arg6[%add3A_82] : memref<40960xf32, #tpu.memory_space<vmem>>[vector<16xi32>], vector<16xf32>,
        %add3A_84 = arith.addf %gather3A_76, %gather3A_83 : vector<16xf32>
        %mul3A_85 = arith.constant 2.000000e-01 : f32
        %mul3A_86 = vector.broadcast %mul3A_85 : f32 to vector<16xf32>
        %mul3A_87 = arith.mulf %mul3A_86, %add3A_84 : vector<16xf32>
        %max3A = arith.maximumf %add3A_84, %mul3A_87 : vector<16xf32>
        %exp3A = math.exp %max3A : vector<16xf32>
        %mul3A_88 = arith.constant 16 : i32
        %mul3A_89 = vector.broadcast %mul3A_88 : i32 to vector<16xi32>
        %mul3A_90 = arith.muli %get3A_65, %mul3A_89 : vector<16xi32>
        %mul3A_91 = arith.mulf %exp3A, %gather3A : vector<16xf32>
        %swap3A = arith.constant 0 : i32
        %swap3A_92 = arith.index_cast %swap3A : i32 to index
        %swap3A_93 = arith.constant 0 : index
        %swap3A_94 = tpu.vector_load %arg9[%swap3A_92, %swap3A_93] {strides = array<i32>} : memref<3x128xf32, #tpu.memory_space<vmem>>, vector<16xf32>,
        tpu.vector_store %arg9[%swap3A_92, %swap3A_93], %mul3A_91 {strides = array<i32>} : memref<3x128xf32, #tpu.memory_space<vmem>>, vector<16xf32>,
        %mul3A_95 = arith.mulf %exp3A, %gather3A_72 : vector<16xf32>
        %swap3A_96 = arith.constant 1 : i32
        %swap3A_97 = arith.index_cast %swap3A_96 : i32 to index
        %swap3A_98 = arith.constant 0 : index
        %swap3A_99 = tpu.vector_load %arg9[%swap3A_97, %swap3A_98] {strides = array<i32>} : memref<3x128xf32, #tpu.memory_space<vmem>>, vector<16xf32>,
        tpu.vector_store %arg9[%swap3A_97, %swap3A_98], %mul3A_95 {strides = array<i32>} : memref<3x128xf32, #tpu.memory_space<vmem>>, vector<16xf32>,
        %swap3A_100 = arith.constant 2 : i32
        %swap3A_101 = arith.index_cast %swap3A_100 : i32 to index
        %swap3A_102 = arith.constant 0 : index
        %swap3A_103 = tpu.vector_load %arg9[%swap3A_101, %swap3A_102] {strides = array<i32>} : memref<3x128xf32, #tpu.memory_space<vmem>>, vector<16xf32>,
        tpu.vector_store %arg9[%swap3A_101, %swap3A_102], %exp3A {strides = array<i32>} : memref<3x128xf32, #tpu.memory_space<vmem>>, vector<16xf32>,
        %swap3A_104 = arith.constant 0 : i32
        %swap3A_105 = arith.index_cast %swap3A_104 : i32 to index
        %swap3A_106 = arith.constant 0 : index
        %swap3A_107 = tpu.vector_load %arg10[%swap3A_105, %swap3A_106] {strides = array<i32>} : memref<3x128xi32, #tpu.memory_space<vmem>>, vector<16xi32>,
        tpu.vector_store %arg10[%swap3A_105, %swap3A_106], %mul3A_90 {strides = array<i32>} : memref<3x128xi32, #tpu.memory_space<vmem>>, vector<16xi32>,
        %add3A_108 = arith.constant 1 : i32
        %add3A_109 = vector.broadcast %add3A_108 : i32 to vector<16xi32>
        %add3A_110 = arith.addi %mul3A_90, %add3A_109 : vector<16xi32>
        %swap3A_111 = arith.constant 1 : i32
        %swap3A_112 = arith.index_cast %swap3A_111 : i32 to index
        %swap3A_113 = arith.constant 0 : index
        %swap3A_114 = tpu.vector_load %arg10[%swap3A_112, %swap3A_113] {strides = array<i32>} : memref<3x128xi32, #tpu.memory_space<vmem>>, vector<16xi32>,
        tpu.vector_store %arg10[%swap3A_112, %swap3A_113], %add3A_110 {strides = array<i32>} : memref<3x128xi32, #tpu.memory_space<vmem>>, vector<16xi32>,
        %add3A_115 = arith.constant 2 : i32
        %add3A_116 = vector.broadcast %add3A_115 : i32 to vector<16xi32>
        %add3A_117 = arith.addi %mul3A_90, %add3A_116 : vector<16xi32>
        %swap3A_118 = arith.constant 2 : i32
        %swap3A_119 = arith.index_cast %swap3A_118 : i32 to index
        %swap3A_120 = arith.constant 0 : index
        %swap3A_121 = tpu.vector_load %arg10[%swap3A_119, %swap3A_120] {strides = array<i32>} : memref<3x128xi32, #tpu.memory_space<vmem>>, vector<16xi32>,
        tpu.vector_store %arg10[%swap3A_119, %swap3A_120], %add3A_117 {strides = array<i32>} : memref<3x128xi32, #tpu.memory_space<vmem>>, vector<16xi32>,
        %get3A_122 = arith.constant 16 : index
        %get3A_123 = tpu.vector_load %arg7[%get3A_122] {strides = array<i32>} : memref<128xi32, #tpu.memory_space<vmem>>, vector<16xi32>,
        %get3A_124 = arith.constant 16 : index
        %get3A_125 = tpu.vector_load %arg8[%get3A_124] {strides = array<i32>} : memref<128xi32, #tpu.memory_space<vmem>>, vector<16xi32>,
        %mul3A_126 = arith.constant 4 : i32
        %mul3A_127 = vector.broadcast %mul3A_126 : i32 to vector<16xi32>
        %mul3A_128 = arith.muli %get3A_123, %mul3A_127 : vector<16xi32>
        %gather3A_129 = tpu.vector_load_idx %arg6[%mul3A_128] : memref<40960xf32, #tpu.memory_space<vmem>>[vector<16xi32>], vector<16xf32>,
        %add3A_130 = arith.constant 1 : i32
        %add3A_131 = vector.broadcast %add3A_130 : i32 to vector<16xi32>
        %add3A_132 = arith.addi %mul3A_128, %add3A_131 : vector<16xi32>
        %gather3A_133 = tpu.vector_load_idx %arg6[%add3A_132] : memref<40960xf32, #tpu.memory_space<vmem>>[vector<16xi32>], vector<16xf32>,
        %add3A_134 = arith.constant 2 : i32
        %add3A_135 = vector.broadcast %add3A_134 : i32 to vector<16xi32>
        %add3A_136 = arith.addi %mul3A_128, %add3A_135 : vector<16xi32>
        %gather3A_137 = tpu.vector_load_idx %arg6[%add3A_136] : memref<40960xf32, #tpu.memory_space<vmem>>[vector<16xi32>], vector<16xf32>,
        %mul3A_138 = arith.constant 4 : i32
        %mul3A_139 = vector.broadcast %mul3A_138 : i32 to vector<16xi32>
        %mul3A_140 = arith.muli %get3A_125, %mul3A_139 : vector<16xi32>
        %add3A_141 = arith.constant 3 : i32
        %add3A_142 = vector.broadcast %add3A_141 : i32 to vector<16xi32>
        %add3A_143 = arith.addi %mul3A_140, %add3A_142 : vector<16xi32>
        %gather3A_144 = tpu.vector_load_idx %arg6[%add3A_143] : memref<40960xf32, #tpu.memory_space<vmem>>[vector<16xi32>], vector<16xf32>,
        %add3A_145 = arith.addf %gather3A_137, %gather3A_144 : vector<16xf32>
        %mul3A_146 = arith.constant 2.000000e-01 : f32
        %mul3A_147 = vector.broadcast %mul3A_146 : f32 to vector<16xf32>
        %mul3A_148 = arith.mulf %mul3A_147, %add3A_145 : vector<16xf32>
        %max3A_149 = arith.maximumf %add3A_145, %mul3A_148 : vector<16xf32>
        %exp3A_150 = math.exp %max3A_149 : vector<16xf32>
        %mul3A_151 = arith.constant 16 : i32
        %mul3A_152 = vector.broadcast %mul3A_151 : i32 to vector<16xi32>
        %mul3A_153 = arith.muli %get3A_125, %mul3A_152 : vector<16xi32>
        %mul3A_154 = arith.mulf %exp3A_150, %gather3A_129 : vector<16xf32>
        %swap3A_155 = arith.constant 0 : i32
        %swap3A_156 = arith.index_cast %swap3A_155 : i32 to index
        %swap3A_157 = arith.constant 16 : index
        %swap3A_158 = tpu.vector_load %arg9[%swap3A_156, %swap3A_157] {strides = array<i32>} : memref<3x128xf32, #tpu.memory_space<vmem>>, vector<16xf32>,
        tpu.vector_store %arg9[%swap3A_156, %swap3A_157], %mul3A_154 {strides = array<i32>} : memref<3x128xf32, #tpu.memory_space<vmem>>, vector<16xf32>,
        %mul3A_159 = arith.mulf %exp3A_150, %gather3A_133 : vector<16xf32>
        %swap3A_160 = arith.constant 1 : i32
        %swap3A_161 = arith.index_cast %swap3A_160 : i32 to index
        %swap3A_162 = arith.constant 16 : index
        %swap3A_163 = tpu.vector_load %arg9[%swap3A_161, %swap3A_162] {strides = array<i32>} : memref<3x128xf32, #tpu.memory_space<vmem>>, vector<16xf32>,
        tpu.vector_store %arg9[%swap3A_161, %swap3A_162], %mul3A_159 {strides = array<i32>} : memref<3x128xf32, #tpu.memory_space<vmem>>, vector<16xf32>,
        %swap3A_164 = arith.constant 2 : i32
        %swap3A_165 = arith.index_cast %swap3A_164 : i32 to index
        %swap3A_166 = arith.constant 16 : index
        %swap3A_167 = tpu.vector_load %arg9[%swap3A_165, %swap3A_166] {strides = array<i32>} : memref<3x128xf32, #tpu.memory_space<vmem>>, vector<16xf32>,
        tpu.vector_store %arg9[%swap3A_165, %swap3A_166], %exp3A_150 {strides = array<i32>} : memref<3x128xf32, #tpu.memory_space<vmem>>, vector<16xf32>,
        %swap3A_168 = arith.constant 0 : i32
        %swap3A_169 = arith.index_cast %swap3A_168 : i32 to index
        %swap3A_170 = arith.constant 16 : index
        %swap3A_171 = tpu.vector_load %arg10[%swap3A_169, %swap3A_170] {strides = array<i32>} : memref<3x128xi32, #tpu.memory_space<vmem>>, vector<16xi32>,
        tpu.vector_store %arg10[%swap3A_169, %swap3A_170], %mul3A_153 {strides = array<i32>} : memref<3x128xi32, #tpu.memory_space<vmem>>, vector<16xi32>,
        %add3A_172 = arith.constant 1 : i32
        %add3A_173 = vector.broadcast %add3A_172 : i32 to vector<16xi32>
        %add3A_174 = arith.addi %mul3A_153, %add3A_173 : vector<16xi32>
        %swap3A_175 = arith.constant 1 : i32
        %swap3A_176 = arith.index_cast %swap3A_175 : i32 to index
        %swap3A_177 = arith.constant 16 : index
        %swap3A_178 = tpu.vector_load %arg10[%swap3A_176, %swap3A_177] {strides = array<i32>} : memref<3x128xi32, #tpu.memory_space<vmem>>, vector<16xi32>,
        tpu.vector_store %arg10[%swap3A_176, %swap3A_177], %add3A_174 {strides = array<i32>} : memref<3x128xi32, #tpu.memory_space<vmem>>, vector<16xi32>,
        %add3A_179 = arith.constant 2 : i32
        %add3A_180 = vector.broadcast %add3A_179 : i32 to vector<16xi32>
        %add3A_181 = arith.addi %mul3A_153, %add3A_180 : vector<16xi32>
        %swap3A_182 = arith.constant 2 : i32
        %swap3A_183 = arith.index_cast %swap3A_182 : i32 to index
        %swap3A_184 = arith.constant 16 : index
        %swap3A_185 = tpu.vector_load %arg10[%swap3A_183, %swap3A_184] {strides = array<i32>} : memref<3x128xi32, #tpu.memory_space<vmem>>, vector<16xi32>,
        tpu.vector_store %arg10[%swap3A_183, %swap3A_184], %add3A_181 {strides = array<i32>} : memref<3x128xi32, #tpu.memory_space<vmem>>, vector<16xi32>,
        %get3A_186 = arith.constant 32 : index
        %get3A_187 = tpu.vector_load %arg7[%get3A_186] {strides = array<i32>} : memref<128xi32, #tpu.memory_space<vmem>>, vector<16xi32>,
        %get3A_188 = arith.constant 32 : index
        %get3A_189 = tpu.vector_load %arg8[%get3A_188] {strides = array<i32>} : memref<128xi32, #tpu.memory_space<vmem>>, vector<16xi32>,
        %mul3A_190 = arith.constant 4 : i32
        %mul3A_191 = vector.broadcast %mul3A_190 : i32 to vector<16xi32>
        %mul3A_192 = arith.muli %get3A_187, %mul3A_191 : vector<16xi32>
        %gather3A_193 = tpu.vector_load_idx %arg6[%mul3A_192] : memref<40960xf32, #tpu.memory_space<vmem>>[vector<16xi32>], vector<16xf32>,
        %add3A_194 = arith.constant 1 : i32
        %add3A_195 = vector.broadcast %add3A_194 : i32 to vector<16xi32>
        %add3A_196 = arith.addi %mul3A_192, %add3A_195 : vector<16xi32>
        %gather3A_197 = tpu.vector_load_idx %arg6[%add3A_196] : memref<40960xf32, #tpu.memory_space<vmem>>[vector<16xi32>], vector<16xf32>,
        %add3A_198 = arith.constant 2 : i32
        %add3A_199 = vector.broadcast %add3A_198 : i32 to vector<16xi32>
        %add3A_200 = arith.addi %mul3A_192, %add3A_199 : vector<16xi32>
        %gather3A_201 = tpu.vector_load_idx %arg6[%add3A_200] : memref<40960xf32, #tpu.memory_space<vmem>>[vector<16xi32>], vector<16xf32>,
        %mul3A_202 = arith.constant 4 : i32
        %mul3A_203 = vector.broadcast %mul3A_202 : i32 to vector<16xi32>
        %mul3A_204 = arith.muli %get3A_189, %mul3A_203 : vector<16xi32>
        %add3A_205 = arith.constant 3 : i32
        %add3A_206 = vector.broadcast %add3A_205 : i32 to vector<16xi32>
        %add3A_207 = arith.addi %mul3A_204, %add3A_206 : vector<16xi32>
        %gather3A_208 = tpu.vector_load_idx %arg6[%add3A_207] : memref<40960xf32, #tpu.memory_space<vmem>>[vector<16xi32>], vector<16xf32>,
        %add3A_209 = arith.addf %gather3A_201, %gather3A_208 : vector<16xf32>
        %mul3A_210 = arith.constant 2.000000e-01 : f32
        %mul3A_211 = vector.broadcast %mul3A_210 : f32 to vector<16xf32>
        %mul3A_212 = arith.mulf %mul3A_211, %add3A_209 : vector<16xf32>
        %max3A_213 = arith.maximumf %add3A_209, %mul3A_212 : vector<16xf32>
        %exp3A_214 = math.exp %max3A_213 : vector<16xf32>
        %mul3A_215 = arith.constant 16 : i32
        %mul3A_216 = vector.broadcast %mul3A_215 : i32 to vector<16xi32>
        %mul3A_217 = arith.muli %get3A_189, %mul3A_216 : vector<16xi32>
        %mul3A_218 = arith.mulf %exp3A_214, %gather3A_193 : vector<16xf32>
        %swap3A_219 = arith.constant 0 : i32
        %swap3A_220 = arith.index_cast %swap3A_219 : i32 to index
        %swap3A_221 = arith.constant 32 : index
        %swap3A_222 = tpu.vector_load %arg9[%swap3A_220, %swap3A_221] {strides = array<i32>} : memref<3x128xf32, #tpu.memory_space<vmem>>, vector<16xf32>,
        tpu.vector_store %arg9[%swap3A_220, %swap3A_221], %mul3A_218 {strides = array<i32>} : memref<3x128xf32, #tpu.memory_space<vmem>>, vector<16xf32>,
        %mul3A_223 = arith.mulf %exp3A_214, %gather3A_197 : vector<16xf32>
        %swap3A_224 = arith.constant 1 : i32
        %swap3A_225 = arith.index_cast %swap3A_224 : i32 to index
        %swap3A_226 = arith.constant 32 : index
        %swap3A_227 = tpu.vector_load %arg9[%swap3A_225, %swap3A_226] {strides = array<i32>} : memref<3x128xf32, #tpu.memory_space<vmem>>, vector<16xf32>,
        tpu.vector_store %arg9[%swap3A_225, %swap3A_226], %mul3A_223 {strides = array<i32>} : memref<3x128xf32, #tpu.memory_space<vmem>>, vector<16xf32>,
        %swap3A_228 = arith.constant 2 : i32
        %swap3A_229 = arith.index_cast %swap3A_228 : i32 to index
        %swap3A_230 = arith.constant 32 : index
        %swap3A_231 = tpu.vector_load %arg9[%swap3A_229, %swap3A_230] {strides = array<i32>} : memref<3x128xf32, #tpu.memory_space<vmem>>, vector<16xf32>,
        tpu.vector_store %arg9[%swap3A_229, %swap3A_230], %exp3A_214 {strides = array<i32>} : memref<3x128xf32, #tpu.memory_space<vmem>>, vector<16xf32>,
        %swap3A_232 = arith.constant 0 : i32
        %swap3A_233 = arith.index_cast %swap3A_232 : i32 to index
        %swap3A_234 = arith.constant 32 : index
        %swap3A_235 = tpu.vector_load %arg10[%swap3A_233, %swap3A_234] {strides = array<i32>} : memref<3x128xi32, #tpu.memory_space<vmem>>, vector<16xi32>,
        tpu.vector_store %arg10[%swap3A_233, %swap3A_234], %mul3A_217 {strides = array<i32>} : memref<3x128xi32, #tpu.memory_space<vmem>>, vector<16xi32>,
        %add3A_236 = arith.constant 1 : i32
        %add3A_237 = vector.broadcast %add3A_236 : i32 to vector<16xi32>
        %add3A_238 = arith.addi %mul3A_217, %add3A_237 : vector<16xi32>
        %swap3A_239 = arith.constant 1 : i32
        %swap3A_240 = arith.index_cast %swap3A_239 : i32 to index
        %swap3A_241 = arith.constant 32 : index
        %swap3A_242 = tpu.vector_load %arg10[%swap3A_240, %swap3A_241] {strides = array<i32>} : memref<3x128xi32, #tpu.memory_space<vmem>>, vector<16xi32>,
        tpu.vector_store %arg10[%swap3A_240, %swap3A_241], %add3A_238 {strides = array<i32>} : memref<3x128xi32, #tpu.memory_space<vmem>>, vector<16xi32>,
        %add3A_243 = arith.constant 2 : i32
        %add3A_244 = vector.broadcast %add3A_243 : i32 to vector<16xi32>
        %add3A_245 = arith.addi %mul3A_217, %add3A_244 : vector<16xi32>
        %swap3A_246 = arith.constant 2 : i32
        %swap3A_247 = arith.index_cast %swap3A_246 : i32 to index
        %swap3A_248 = arith.constant 32 : index
        %swap3A_249 = tpu.vector_load %arg10[%swap3A_247, %swap3A_248] {strides = array<i32>} : memref<3x128xi32, #tpu.memory_space<vmem>>, vector<16xi32>,
        tpu.vector_store %arg10[%swap3A_247, %swap3A_248], %add3A_245 {strides = array<i32>} : memref<3x128xi32, #tpu.memory_space<vmem>>, vector<16xi32>,
        %get3A_250 = arith.constant 48 : index
        %get3A_251 = tpu.vector_load %arg7[%get3A_250] {strides = array<i32>} : memref<128xi32, #tpu.memory_space<vmem>>, vector<16xi32>,
        %get3A_252 = arith.constant 48 : index
        %get3A_253 = tpu.vector_load %arg8[%get3A_252] {strides = array<i32>} : memref<128xi32, #tpu.memory_space<vmem>>, vector<16xi32>,
        %mul3A_254 = arith.constant 4 : i32
        %mul3A_255 = vector.broadcast %mul3A_254 : i32 to vector<16xi32>
        %mul3A_256 = arith.muli %get3A_251, %mul3A_255 : vector<16xi32>
        %gather3A_257 = tpu.vector_load_idx %arg6[%mul3A_256] : memref<40960xf32, #tpu.memory_space<vmem>>[vector<16xi32>], vector<16xf32>,
        %add3A_258 = arith.constant 1 : i32
        %add3A_259 = vector.broadcast %add3A_258 : i32 to vector<16xi32>
        %add3A_260 = arith.addi %mul3A_256, %add3A_259 : vector<16xi32>
        %gather3A_261 = tpu.vector_load_idx %arg6[%add3A_260] : memref<40960xf32, #tpu.memory_space<vmem>>[vector<16xi32>], vector<16xf32>,
        %add3A_262 = arith.constant 2 : i32
        %add3A_263 = vector.broadcast %add3A_262 : i32 to vector<16xi32>
        %add3A_264 = arith.addi %mul3A_256, %add3A_263 : vector<16xi32>
        %gather3A_265 = tpu.vector_load_idx %arg6[%add3A_264] : memref<40960xf32, #tpu.memory_space<vmem>>[vector<16xi32>], vector<16xf32>,
        %mul3A_266 = arith.constant 4 : i32
        %mul3A_267 = vector.broadcast %mul3A_266 : i32 to vector<16xi32>
        %mul3A_268 = arith.muli %get3A_253, %mul3A_267 : vector<16xi32>
        %add3A_269 = arith.constant 3 : i32
        %add3A_270 = vector.broadcast %add3A_269 : i32 to vector<16xi32>
        %add3A_271 = arith.addi %mul3A_268, %add3A_270 : vector<16xi32>
        %gather3A_272 = tpu.vector_load_idx %arg6[%add3A_271] : memref<40960xf32, #tpu.memory_space<vmem>>[vector<16xi32>], vector<16xf32>,
        %add3A_273 = arith.addf %gather3A_265, %gather3A_272 : vector<16xf32>
        %mul3A_274 = arith.constant 2.000000e-01 : f32
        %mul3A_275 = vector.broadcast %mul3A_274 : f32 to vector<16xf32>
        %mul3A_276 = arith.mulf %mul3A_275, %add3A_273 : vector<16xf32>
        %max3A_277 = arith.maximumf %add3A_273, %mul3A_276 : vector<16xf32>
        %exp3A_278 = math.exp %max3A_277 : vector<16xf32>
        %mul3A_279 = arith.constant 16 : i32
        %mul3A_280 = vector.broadcast %mul3A_279 : i32 to vector<16xi32>
        %mul3A_281 = arith.muli %get3A_253, %mul3A_280 : vector<16xi32>
        %mul3A_282 = arith.mulf %exp3A_278, %gather3A_257 : vector<16xf32>
        %swap3A_283 = arith.constant 0 : i32
        %swap3A_284 = arith.index_cast %swap3A_283 : i32 to index
        %swap3A_285 = arith.constant 48 : index
        %swap3A_286 = tpu.vector_load %arg9[%swap3A_284, %swap3A_285] {strides = array<i32>} : memref<3x128xf32, #tpu.memory_space<vmem>>, vector<16xf32>,
        tpu.vector_store %arg9[%swap3A_284, %swap3A_285], %mul3A_282 {strides = array<i32>} : memref<3x128xf32, #tpu.memory_space<vmem>>, vector<16xf32>,
        %mul3A_287 = arith.mulf %exp3A_278, %gather3A_261 : vector<16xf32>
        %swap3A_288 = arith.constant 1 : i32
        %swap3A_289 = arith.index_cast %swap3A_288 : i32 to index
        %swap3A_290 = arith.constant 48 : index
        %swap3A_291 = tpu.vector_load %arg9[%swap3A_289, %swap3A_290] {strides = array<i32>} : memref<3x128xf32, #tpu.memory_space<vmem>>, vector<16xf32>,
        tpu.vector_store %arg9[%swap3A_289, %swap3A_290], %mul3A_287 {strides = array<i32>} : memref<3x128xf32, #tpu.memory_space<vmem>>, vector<16xf32>,
        %swap3A_292 = arith.constant 2 : i32
        %swap3A_293 = arith.index_cast %swap3A_292 : i32 to index
        %swap3A_294 = arith.constant 48 : index
        %swap3A_295 = tpu.vector_load %arg9[%swap3A_293, %swap3A_294] {strides = array<i32>} : memref<3x128xf32, #tpu.memory_space<vmem>>, vector<16xf32>,
        tpu.vector_store %arg9[%swap3A_293, %swap3A_294], %exp3A_278 {strides = array<i32>} : memref<3x128xf32, #tpu.memory_space<vmem>>, vector<16xf32>,
        %swap3A_296 = arith.constant 0 : i32
        %swap3A_297 = arith.index_cast %swap3A_296 : i32 to index
        %swap3A_298 = arith.constant 48 : index
        %swap3A_299 = tpu.vector_load %arg10[%swap3A_297, %swap3A_298] {strides = array<i32>} : memref<3x128xi32, #tpu.memory_space<vmem>>, vector<16xi32>,
        tpu.vector_store %arg10[%swap3A_297, %swap3A_298], %mul3A_281 {strides = array<i32>} : memref<3x128xi32, #tpu.memory_space<vmem>>, vector<16xi32>,
        %add3A_300 = arith.constant 1 : i32
        %add3A_301 = vector.broadcast %add3A_300 : i32 to vector<16xi32>
        %add3A_302 = arith.addi %mul3A_281, %add3A_301 : vector<16xi32>
        %swap3A_303 = arith.constant 1 : i32
        %swap3A_304 = arith.index_cast %swap3A_303 : i32 to index
        %swap3A_305 = arith.constant 48 : index
        %swap3A_306 = tpu.vector_load %arg10[%swap3A_304, %swap3A_305] {strides = array<i32>} : memref<3x128xi32, #tpu.memory_space<vmem>>, vector<16xi32>,
        tpu.vector_store %arg10[%swap3A_304, %swap3A_305], %add3A_302 {strides = array<i32>} : memref<3x128xi32, #tpu.memory_space<vmem>>, vector<16xi32>,
        %add3A_307 = arith.constant 2 : i32
        %add3A_308 = vector.broadcast %add3A_307 : i32 to vector<16xi32>
        %add3A_309 = arith.addi %mul3A_281, %add3A_308 : vector<16xi32>
        %swap3A_310 = arith.constant 2 : i32
        %swap3A_311 = arith.index_cast %swap3A_310 : i32 to index
        %swap3A_312 = arith.constant 48 : index
        %swap3A_313 = tpu.vector_load %arg10[%swap3A_311, %swap3A_312] {strides = array<i32>} : memref<3x128xi32, #tpu.memory_space<vmem>>, vector<16xi32>,
        tpu.vector_store %arg10[%swap3A_311, %swap3A_312], %add3A_309 {strides = array<i32>} : memref<3x128xi32, #tpu.memory_space<vmem>>, vector<16xi32>,
        %get3A_314 = arith.constant 64 : index
        %get3A_315 = tpu.vector_load %arg7[%get3A_314] {strides = array<i32>} : memref<128xi32, #tpu.memory_space<vmem>>, vector<16xi32>,
        %get3A_316 = arith.constant 64 : index
        %get3A_317 = tpu.vector_load %arg8[%get3A_316] {strides = array<i32>} : memref<128xi32, #tpu.memory_space<vmem>>, vector<16xi32>,
        %mul3A_318 = arith.constant 4 : i32
        %mul3A_319 = vector.broadcast %mul3A_318 : i32 to vector<16xi32>
        %mul3A_320 = arith.muli %get3A_315, %mul3A_319 : vector<16xi32>
        %gather3A_321 = tpu.vector_load_idx %arg6[%mul3A_320] : memref<40960xf32, #tpu.memory_space<vmem>>[vector<16xi32>], vector<16xf32>,
        %add3A_322 = arith.constant 1 : i32
        %add3A_323 = vector.broadcast %add3A_322 : i32 to vector<16xi32>
        %add3A_324 = arith.addi %mul3A_320, %add3A_323 : vector<16xi32>
        %gather3A_325 = tpu.vector_load_idx %arg6[%add3A_324] : memref<40960xf32, #tpu.memory_space<vmem>>[vector<16xi32>], vector<16xf32>,
        %add3A_326 = arith.constant 2 : i32
        %add3A_327 = vector.broadcast %add3A_326 : i32 to vector<16xi32>
        %add3A_328 = arith.addi %mul3A_320, %add3A_327 : vector<16xi32>
        %gather3A_329 = tpu.vector_load_idx %arg6[%add3A_328] : memref<40960xf32, #tpu.memory_space<vmem>>[vector<16xi32>], vector<16xf32>,
        %mul3A_330 = arith.constant 4 : i32
        %mul3A_331 = vector.broadcast %mul3A_330 : i32 to vector<16xi32>
        %mul3A_332 = arith.muli %get3A_317, %mul3A_331 : vector<16xi32>
        %add3A_333 = arith.constant 3 : i32
        %add3A_334 = vector.broadcast %add3A_333 : i32 to vector<16xi32>
        %add3A_335 = arith.addi %mul3A_332, %add3A_334 : vector<16xi32>
        %gather3A_336 = tpu.vector_load_idx %arg6[%add3A_335] : memref<40960xf32, #tpu.memory_space<vmem>>[vector<16xi32>], vector<16xf32>,
        %add3A_337 = arith.addf %gather3A_329, %gather3A_336 : vector<16xf32>
        %mul3A_338 = arith.constant 2.000000e-01 : f32
        %mul3A_339 = vector.broadcast %mul3A_338 : f32 to vector<16xf32>
        %mul3A_340 = arith.mulf %mul3A_339, %add3A_337 : vector<16xf32>
        %max3A_341 = arith.maximumf %add3A_337, %mul3A_340 : vector<16xf32>
        %exp3A_342 = math.exp %max3A_341 : vector<16xf32>
        %mul3A_343 = arith.constant 16 : i32
        %mul3A_344 = vector.broadcast %mul3A_343 : i32 to vector<16xi32>
        %mul3A_345 = arith.muli %get3A_317, %mul3A_344 : vector<16xi32>
        %mul3A_346 = arith.mulf %exp3A_342, %gather3A_321 : vector<16xf32>
        %swap3A_347 = arith.constant 0 : i32
        %swap3A_348 = arith.index_cast %swap3A_347 : i32 to index
        %swap3A_349 = arith.constant 64 : index
        %swap3A_350 = tpu.vector_load %arg9[%swap3A_348, %swap3A_349] {strides = array<i32>} : memref<3x128xf32, #tpu.memory_space<vmem>>, vector<16xf32>,
        tpu.vector_store %arg9[%swap3A_348, %swap3A_349], %mul3A_346 {strides = array<i32>} : memref<3x128xf32, #tpu.memory_space<vmem>>, vector<16xf32>,
        %mul3A_351 = arith.mulf %exp3A_342, %gather3A_325 : vector<16xf32>
        %swap3A_352 = arith.constant 1 : i32
        %swap3A_353 = arith.index_cast %swap3A_352 : i32 to index
        %swap3A_354 = arith.constant 64 : index
        %swap3A_355 = tpu.vector_load %arg9[%swap3A_353, %swap3A_354] {strides = array<i32>} : memref<3x128xf32, #tpu.memory_space<vmem>>, vector<16xf32>,
        tpu.vector_store %arg9[%swap3A_353, %swap3A_354], %mul3A_351 {strides = array<i32>} : memref<3x128xf32, #tpu.memory_space<vmem>>, vector<16xf32>,
        %swap3A_356 = arith.constant 2 : i32
        %swap3A_357 = arith.index_cast %swap3A_356 : i32 to index
        %swap3A_358 = arith.constant 64 : index
        %swap3A_359 = tpu.vector_load %arg9[%swap3A_357, %swap3A_358] {strides = array<i32>} : memref<3x128xf32, #tpu.memory_space<vmem>>, vector<16xf32>,
        tpu.vector_store %arg9[%swap3A_357, %swap3A_358], %exp3A_342 {strides = array<i32>} : memref<3x128xf32, #tpu.memory_space<vmem>>, vector<16xf32>,
        %swap3A_360 = arith.constant 0 : i32
        %swap3A_361 = arith.index_cast %swap3A_360 : i32 to index
        %swap3A_362 = arith.constant 64 : index
        %swap3A_363 = tpu.vector_load %arg10[%swap3A_361, %swap3A_362] {strides = array<i32>} : memref<3x128xi32, #tpu.memory_space<vmem>>, vector<16xi32>,
        tpu.vector_store %arg10[%swap3A_361, %swap3A_362], %mul3A_345 {strides = array<i32>} : memref<3x128xi32, #tpu.memory_space<vmem>>, vector<16xi32>,
        %add3A_364 = arith.constant 1 : i32
        %add3A_365 = vector.broadcast %add3A_364 : i32 to vector<16xi32>
        %add3A_366 = arith.addi %mul3A_345, %add3A_365 : vector<16xi32>
        %swap3A_367 = arith.constant 1 : i32
        %swap3A_368 = arith.index_cast %swap3A_367 : i32 to index
        %swap3A_369 = arith.constant 64 : index
        %swap3A_370 = tpu.vector_load %arg10[%swap3A_368, %swap3A_369] {strides = array<i32>} : memref<3x128xi32, #tpu.memory_space<vmem>>, vector<16xi32>,
        tpu.vector_store %arg10[%swap3A_368, %swap3A_369], %add3A_366 {strides = array<i32>} : memref<3x128xi32, #tpu.memory_space<vmem>>, vector<16xi32>,
        %add3A_371 = arith.constant 2 : i32
        %add3A_372 = vector.broadcast %add3A_371 : i32 to vector<16xi32>
        %add3A_373 = arith.addi %mul3A_345, %add3A_372 : vector<16xi32>
        %swap3A_374 = arith.constant 2 : i32
        %swap3A_375 = arith.index_cast %swap3A_374 : i32 to index
        %swap3A_376 = arith.constant 64 : index
        %swap3A_377 = tpu.vector_load %arg10[%swap3A_375, %swap3A_376] {strides = array<i32>} : memref<3x128xi32, #tpu.memory_space<vmem>>, vector<16xi32>,
        tpu.vector_store %arg10[%swap3A_375, %swap3A_376], %add3A_373 {strides = array<i32>} : memref<3x128xi32, #tpu.memory_space<vmem>>, vector<16xi32>,
        %get3A_378 = arith.constant 80 : index
        %get3A_379 = tpu.vector_load %arg7[%get3A_378] {strides = array<i32>} : memref<128xi32, #tpu.memory_space<vmem>>, vector<16xi32>,
        %get3A_380 = arith.constant 80 : index
        %get3A_381 = tpu.vector_load %arg8[%get3A_380] {strides = array<i32>} : memref<128xi32, #tpu.memory_space<vmem>>, vector<16xi32>,
        %mul3A_382 = arith.constant 4 : i32
        %mul3A_383 = vector.broadcast %mul3A_382 : i32 to vector<16xi32>
        %mul3A_384 = arith.muli %get3A_379, %mul3A_383 : vector<16xi32>
        %gather3A_385 = tpu.vector_load_idx %arg6[%mul3A_384] : memref<40960xf32, #tpu.memory_space<vmem>>[vector<16xi32>], vector<16xf32>,
        %add3A_386 = arith.constant 1 : i32
        %add3A_387 = vector.broadcast %add3A_386 : i32 to vector<16xi32>
        %add3A_388 = arith.addi %mul3A_384, %add3A_387 : vector<16xi32>
        %gather3A_389 = tpu.vector_load_idx %arg6[%add3A_388] : memref<40960xf32, #tpu.memory_space<vmem>>[vector<16xi32>], vector<16xf32>,
        %add3A_390 = arith.constant 2 : i32
        %add3A_391 = vector.broadcast %add3A_390 : i32 to vector<16xi32>
        %add3A_392 = arith.addi %mul3A_384, %add3A_391 : vector<16xi32>
        %gather3A_393 = tpu.vector_load_idx %arg6[%add3A_392] : memref<40960xf32, #tpu.memory_space<vmem>>[vector<16xi32>], vector<16xf32>,
        %mul3A_394 = arith.constant 4 : i32
        %mul3A_395 = vector.broadcast %mul3A_394 : i32 to vector<16xi32>
        %mul3A_396 = arith.muli %get3A_381, %mul3A_395 : vector<16xi32>
        %add3A_397 = arith.constant 3 : i32
        %add3A_398 = vector.broadcast %add3A_397 : i32 to vector<16xi32>
        %add3A_399 = arith.addi %mul3A_396, %add3A_398 : vector<16xi32>
        %gather3A_400 = tpu.vector_load_idx %arg6[%add3A_399] : memref<40960xf32, #tpu.memory_space<vmem>>[vector<16xi32>], vector<16xf32>,
        %add3A_401 = arith.addf %gather3A_393, %gather3A_400 : vector<16xf32>
        %mul3A_402 = arith.constant 2.000000e-01 : f32
        %mul3A_403 = vector.broadcast %mul3A_402 : f32 to vector<16xf32>
        %mul3A_404 = arith.mulf %mul3A_403, %add3A_401 : vector<16xf32>
        %max3A_405 = arith.maximumf %add3A_401, %mul3A_404 : vector<16xf32>
        %exp3A_406 = math.exp %max3A_405 : vector<16xf32>
        %mul3A_407 = arith.constant 16 : i32
        %mul3A_408 = vector.broadcast %mul3A_407 : i32 to vector<16xi32>
        %mul3A_409 = arith.muli %get3A_381, %mul3A_408 : vector<16xi32>
        %mul3A_410 = arith.mulf %exp3A_406, %gather3A_385 : vector<16xf32>
        %swap3A_411 = arith.constant 0 : i32
        %swap3A_412 = arith.index_cast %swap3A_411 : i32 to index
        %swap3A_413 = arith.constant 80 : index
        %swap3A_414 = tpu.vector_load %arg9[%swap3A_412, %swap3A_413] {strides = array<i32>} : memref<3x128xf32, #tpu.memory_space<vmem>>, vector<16xf32>,
        tpu.vector_store %arg9[%swap3A_412, %swap3A_413], %mul3A_410 {strides = array<i32>} : memref<3x128xf32, #tpu.memory_space<vmem>>, vector<16xf32>,
        %mul3A_415 = arith.mulf %exp3A_406, %gather3A_389 : vector<16xf32>
        %swap3A_416 = arith.constant 1 : i32
        %swap3A_417 = arith.index_cast %swap3A_416 : i32 to index
        %swap3A_418 = arith.constant 80 : index
        %swap3A_419 = tpu.vector_load %arg9[%swap3A_417, %swap3A_418] {strides = array<i32>} : memref<3x128xf32, #tpu.memory_space<vmem>>, vector<16xf32>,
        tpu.vector_store %arg9[%swap3A_417, %swap3A_418], %mul3A_415 {strides = array<i32>} : memref<3x128xf32, #tpu.memory_space<vmem>>, vector<16xf32>,
        %swap3A_420 = arith.constant 2 : i32
        %swap3A_421 = arith.index_cast %swap3A_420 : i32 to index
        %swap3A_422 = arith.constant 80 : index
        %swap3A_423 = tpu.vector_load %arg9[%swap3A_421, %swap3A_422] {strides = array<i32>} : memref<3x128xf32, #tpu.memory_space<vmem>>, vector<16xf32>,
        tpu.vector_store %arg9[%swap3A_421, %swap3A_422], %exp3A_406 {strides = array<i32>} : memref<3x128xf32, #tpu.memory_space<vmem>>, vector<16xf32>,
        %swap3A_424 = arith.constant 0 : i32
        %swap3A_425 = arith.index_cast %swap3A_424 : i32 to index
        %swap3A_426 = arith.constant 80 : index
        %swap3A_427 = tpu.vector_load %arg10[%swap3A_425, %swap3A_426] {strides = array<i32>} : memref<3x128xi32, #tpu.memory_space<vmem>>, vector<16xi32>,
        tpu.vector_store %arg10[%swap3A_425, %swap3A_426], %mul3A_409 {strides = array<i32>} : memref<3x128xi32, #tpu.memory_space<vmem>>, vector<16xi32>,
        %add3A_428 = arith.constant 1 : i32
        %add3A_429 = vector.broadcast %add3A_428 : i32 to vector<16xi32>
        %add3A_430 = arith.addi %mul3A_409, %add3A_429 : vector<16xi32>
        %swap3A_431 = arith.constant 1 : i32
        %swap3A_432 = arith.index_cast %swap3A_431 : i32 to index
        %swap3A_433 = arith.constant 80 : index
        %swap3A_434 = tpu.vector_load %arg10[%swap3A_432, %swap3A_433] {strides = array<i32>} : memref<3x128xi32, #tpu.memory_space<vmem>>, vector<16xi32>,
        tpu.vector_store %arg10[%swap3A_432, %swap3A_433], %add3A_430 {strides = array<i32>} : memref<3x128xi32, #tpu.memory_space<vmem>>, vector<16xi32>,
        %add3A_435 = arith.constant 2 : i32
        %add3A_436 = vector.broadcast %add3A_435 : i32 to vector<16xi32>
        %add3A_437 = arith.addi %mul3A_409, %add3A_436 : vector<16xi32>
        %swap3A_438 = arith.constant 2 : i32
        %swap3A_439 = arith.index_cast %swap3A_438 : i32 to index
        %swap3A_440 = arith.constant 80 : index
        %swap3A_441 = tpu.vector_load %arg10[%swap3A_439, %swap3A_440] {strides = array<i32>} : memref<3x128xi32, #tpu.memory_space<vmem>>, vector<16xi32>,
        tpu.vector_store %arg10[%swap3A_439, %swap3A_440], %add3A_437 {strides = array<i32>} : memref<3x128xi32, #tpu.memory_space<vmem>>, vector<16xi32>,
        %get3A_442 = arith.constant 96 : index
        %get3A_443 = tpu.vector_load %arg7[%get3A_442] {strides = array<i32>} : memref<128xi32, #tpu.memory_space<vmem>>, vector<16xi32>,
        %get3A_444 = arith.constant 96 : index
        %get3A_445 = tpu.vector_load %arg8[%get3A_444] {strides = array<i32>} : memref<128xi32, #tpu.memory_space<vmem>>, vector<16xi32>,
        %mul3A_446 = arith.constant 4 : i32
        %mul3A_447 = vector.broadcast %mul3A_446 : i32 to vector<16xi32>
        %mul3A_448 = arith.muli %get3A_443, %mul3A_447 : vector<16xi32>
        %gather3A_449 = tpu.vector_load_idx %arg6[%mul3A_448] : memref<40960xf32, #tpu.memory_space<vmem>>[vector<16xi32>], vector<16xf32>,
        %add3A_450 = arith.constant 1 : i32
        %add3A_451 = vector.broadcast %add3A_450 : i32 to vector<16xi32>
        %add3A_452 = arith.addi %mul3A_448, %add3A_451 : vector<16xi32>
        %gather3A_453 = tpu.vector_load_idx %arg6[%add3A_452] : memref<40960xf32, #tpu.memory_space<vmem>>[vector<16xi32>], vector<16xf32>,
        %add3A_454 = arith.constant 2 : i32
        %add3A_455 = vector.broadcast %add3A_454 : i32 to vector<16xi32>
        %add3A_456 = arith.addi %mul3A_448, %add3A_455 : vector<16xi32>
        %gather3A_457 = tpu.vector_load_idx %arg6[%add3A_456] : memref<40960xf32, #tpu.memory_space<vmem>>[vector<16xi32>], vector<16xf32>,
        %mul3A_458 = arith.constant 4 : i32
        %mul3A_459 = vector.broadcast %mul3A_458 : i32 to vector<16xi32>
        %mul3A_460 = arith.muli %get3A_445, %mul3A_459 : vector<16xi32>
        %add3A_461 = arith.constant 3 : i32
        %add3A_462 = vector.broadcast %add3A_461 : i32 to vector<16xi32>
        %add3A_463 = arith.addi %mul3A_460, %add3A_462 : vector<16xi32>
        %gather3A_464 = tpu.vector_load_idx %arg6[%add3A_463] : memref<40960xf32, #tpu.memory_space<vmem>>[vector<16xi32>], vector<16xf32>,
        %add3A_465 = arith.addf %gather3A_457, %gather3A_464 : vector<16xf32>
        %mul3A_466 = arith.constant 2.000000e-01 : f32
        %mul3A_467 = vector.broadcast %mul3A_466 : f32 to vector<16xf32>
        %mul3A_468 = arith.mulf %mul3A_467, %add3A_465 : vector<16xf32>
        %max3A_469 = arith.maximumf %add3A_465, %mul3A_468 : vector<16xf32>
        %exp3A_470 = math.exp %max3A_469 : vector<16xf32>
        %mul3A_471 = arith.constant 16 : i32
        %mul3A_472 = vector.broadcast %mul3A_471 : i32 to vector<16xi32>
        %mul3A_473 = arith.muli %get3A_445, %mul3A_472 : vector<16xi32>
        %mul3A_474 = arith.mulf %exp3A_470, %gather3A_449 : vector<16xf32>
        %swap3A_475 = arith.constant 0 : i32
        %swap3A_476 = arith.index_cast %swap3A_475 : i32 to index
        %swap3A_477 = arith.constant 96 : index
        %swap3A_478 = tpu.vector_load %arg9[%swap3A_476, %swap3A_477] {strides = array<i32>} : memref<3x128xf32, #tpu.memory_space<vmem>>, vector<16xf32>,
        tpu.vector_store %arg9[%swap3A_476, %swap3A_477], %mul3A_474 {strides = array<i32>} : memref<3x128xf32, #tpu.memory_space<vmem>>, vector<16xf32>,
        %mul3A_479 = arith.mulf %exp3A_470, %gather3A_453 : vector<16xf32>
        %swap3A_480 = arith.constant 1 : i32
        %swap3A_481 = arith.index_cast %swap3A_480 : i32 to index
        %swap3A_482 = arith.constant 96 : index
        %swap3A_483 = tpu.vector_load %arg9[%swap3A_481, %swap3A_482] {strides = array<i32>} : memref<3x128xf32, #tpu.memory_space<vmem>>, vector<16xf32>,
        tpu.vector_store %arg9[%swap3A_481, %swap3A_482], %mul3A_479 {strides = array<i32>} : memref<3x128xf32, #tpu.memory_space<vmem>>, vector<16xf32>,
        %swap3A_484 = arith.constant 2 : i32
        %swap3A_485 = arith.index_cast %swap3A_484 : i32 to index
        %swap3A_486 = arith.constant 96 : index
        %swap3A_487 = tpu.vector_load %arg9[%swap3A_485, %swap3A_486] {strides = array<i32>} : memref<3x128xf32, #tpu.memory_space<vmem>>, vector<16xf32>,
        tpu.vector_store %arg9[%swap3A_485, %swap3A_486], %exp3A_470 {strides = array<i32>} : memref<3x128xf32, #tpu.memory_space<vmem>>, vector<16xf32>,
        %swap3A_488 = arith.constant 0 : i32
        %swap3A_489 = arith.index_cast %swap3A_488 : i32 to index
        %swap3A_490 = arith.constant 96 : index
        %swap3A_491 = tpu.vector_load %arg10[%swap3A_489, %swap3A_490] {strides = array<i32>} : memref<3x128xi32, #tpu.memory_space<vmem>>, vector<16xi32>,
        tpu.vector_store %arg10[%swap3A_489, %swap3A_490], %mul3A_473 {strides = array<i32>} : memref<3x128xi32, #tpu.memory_space<vmem>>, vector<16xi32>,
        %add3A_492 = arith.constant 1 : i32
        %add3A_493 = vector.broadcast %add3A_492 : i32 to vector<16xi32>
        %add3A_494 = arith.addi %mul3A_473, %add3A_493 : vector<16xi32>
        %swap3A_495 = arith.constant 1 : i32
        %swap3A_496 = arith.index_cast %swap3A_495 : i32 to index
        %swap3A_497 = arith.constant 96 : index
        %swap3A_498 = tpu.vector_load %arg10[%swap3A_496, %swap3A_497] {strides = array<i32>} : memref<3x128xi32, #tpu.memory_space<vmem>>, vector<16xi32>,
        tpu.vector_store %arg10[%swap3A_496, %swap3A_497], %add3A_494 {strides = array<i32>} : memref<3x128xi32, #tpu.memory_space<vmem>>, vector<16xi32>,
        %add3A_499 = arith.constant 2 : i32
        %add3A_500 = vector.broadcast %add3A_499 : i32 to vector<16xi32>
        %add3A_501 = arith.addi %mul3A_473, %add3A_500 : vector<16xi32>
        %swap3A_502 = arith.constant 2 : i32
        %swap3A_503 = arith.index_cast %swap3A_502 : i32 to index
        %swap3A_504 = arith.constant 96 : index
        %swap3A_505 = tpu.vector_load %arg10[%swap3A_503, %swap3A_504] {strides = array<i32>} : memref<3x128xi32, #tpu.memory_space<vmem>>, vector<16xi32>,
        tpu.vector_store %arg10[%swap3A_503, %swap3A_504], %add3A_501 {strides = array<i32>} : memref<3x128xi32, #tpu.memory_space<vmem>>, vector<16xi32>,
        %get3A_506 = arith.constant 112 : index
        %get3A_507 = tpu.vector_load %arg7[%get3A_506] {strides = array<i32>} : memref<128xi32, #tpu.memory_space<vmem>>, vector<16xi32>,
        %get3A_508 = arith.constant 112 : index
        %get3A_509 = tpu.vector_load %arg8[%get3A_508] {strides = array<i32>} : memref<128xi32, #tpu.memory_space<vmem>>, vector<16xi32>,
        %mul3A_510 = arith.constant 4 : i32
        %mul3A_511 = vector.broadcast %mul3A_510 : i32 to vector<16xi32>
        %mul3A_512 = arith.muli %get3A_507, %mul3A_511 : vector<16xi32>
        %gather3A_513 = tpu.vector_load_idx %arg6[%mul3A_512] : memref<40960xf32, #tpu.memory_space<vmem>>[vector<16xi32>], vector<16xf32>,
        %add3A_514 = arith.constant 1 : i32
        %add3A_515 = vector.broadcast %add3A_514 : i32 to vector<16xi32>
        %add3A_516 = arith.addi %mul3A_512, %add3A_515 : vector<16xi32>
        %gather3A_517 = tpu.vector_load_idx %arg6[%add3A_516] : memref<40960xf32, #tpu.memory_space<vmem>>[vector<16xi32>], vector<16xf32>,
        %add3A_518 = arith.constant 2 : i32
        %add3A_519 = vector.broadcast %add3A_518 : i32 to vector<16xi32>
        %add3A_520 = arith.addi %mul3A_512, %add3A_519 : vector<16xi32>
        %gather3A_521 = tpu.vector_load_idx %arg6[%add3A_520] : memref<40960xf32, #tpu.memory_space<vmem>>[vector<16xi32>], vector<16xf32>,
        %mul3A_522 = arith.constant 4 : i32
        %mul3A_523 = vector.broadcast %mul3A_522 : i32 to vector<16xi32>
        %mul3A_524 = arith.muli %get3A_509, %mul3A_523 : vector<16xi32>
        %add3A_525 = arith.constant 3 : i32
        %add3A_526 = vector.broadcast %add3A_525 : i32 to vector<16xi32>
        %add3A_527 = arith.addi %mul3A_524, %add3A_526 : vector<16xi32>
        %gather3A_528 = tpu.vector_load_idx %arg6[%add3A_527] : memref<40960xf32, #tpu.memory_space<vmem>>[vector<16xi32>], vector<16xf32>,
        %add3A_529 = arith.addf %gather3A_521, %gather3A_528 : vector<16xf32>
        %mul3A_530 = arith.constant 2.000000e-01 : f32
        %mul3A_531 = vector.broadcast %mul3A_530 : f32 to vector<16xf32>
        %mul3A_532 = arith.mulf %mul3A_531, %add3A_529 : vector<16xf32>
        %max3A_533 = arith.maximumf %add3A_529, %mul3A_532 : vector<16xf32>
        %exp3A_534 = math.exp %max3A_533 : vector<16xf32>
        %mul3A_535 = arith.constant 16 : i32
        %mul3A_536 = vector.broadcast %mul3A_535 : i32 to vector<16xi32>
        %mul3A_537 = arith.muli %get3A_509, %mul3A_536 : vector<16xi32>
        %mul3A_538 = arith.mulf %exp3A_534, %gather3A_513 : vector<16xf32>
        %swap3A_539 = arith.constant 0 : i32
        %swap3A_540 = arith.index_cast %swap3A_539 : i32 to index
        %swap3A_541 = arith.constant 112 : index
        %swap3A_542 = tpu.vector_load %arg9[%swap3A_540, %swap3A_541] {strides = array<i32>} : memref<3x128xf32, #tpu.memory_space<vmem>>, vector<16xf32>,
        tpu.vector_store %arg9[%swap3A_540, %swap3A_541], %mul3A_538 {strides = array<i32>} : memref<3x128xf32, #tpu.memory_space<vmem>>, vector<16xf32>,
        %mul3A_543 = arith.mulf %exp3A_534, %gather3A_517 : vector<16xf32>
        %swap3A_544 = arith.constant 1 : i32
        %swap3A_545 = arith.index_cast %swap3A_544 : i32 to index
        %swap3A_546 = arith.constant 112 : index
        %swap3A_547 = tpu.vector_load %arg9[%swap3A_545, %swap3A_546] {strides = array<i32>} : memref<3x128xf32, #tpu.memory_space<vmem>>, vector<16xf32>,
        tpu.vector_store %arg9[%swap3A_545, %swap3A_546], %mul3A_543 {strides = array<i32>} : memref<3x128xf32, #tpu.memory_space<vmem>>, vector<16xf32>,
        %swap3A_548 = arith.constant 2 : i32
        %swap3A_549 = arith.index_cast %swap3A_548 : i32 to index
        %swap3A_550 = arith.constant 112 : index
        %swap3A_551 = tpu.vector_load %arg9[%swap3A_549, %swap3A_550] {strides = array<i32>} : memref<3x128xf32, #tpu.memory_space<vmem>>, vector<16xf32>,
        tpu.vector_store %arg9[%swap3A_549, %swap3A_550], %exp3A_534 {strides = array<i32>} : memref<3x128xf32, #tpu.memory_space<vmem>>, vector<16xf32>,
        %swap3A_552 = arith.constant 0 : i32
        %swap3A_553 = arith.index_cast %swap3A_552 : i32 to index
        %swap3A_554 = arith.constant 112 : index
        %swap3A_555 = tpu.vector_load %arg10[%swap3A_553, %swap3A_554] {strides = array<i32>} : memref<3x128xi32, #tpu.memory_space<vmem>>, vector<16xi32>,
        tpu.vector_store %arg10[%swap3A_553, %swap3A_554], %mul3A_537 {strides = array<i32>} : memref<3x128xi32, #tpu.memory_space<vmem>>, vector<16xi32>,
        %add3A_556 = arith.constant 1 : i32
        %add3A_557 = vector.broadcast %add3A_556 : i32 to vector<16xi32>
        %add3A_558 = arith.addi %mul3A_537, %add3A_557 : vector<16xi32>
        %swap3A_559 = arith.constant 1 : i32
        %swap3A_560 = arith.index_cast %swap3A_559 : i32 to index
        %swap3A_561 = arith.constant 112 : index
        %swap3A_562 = tpu.vector_load %arg10[%swap3A_560, %swap3A_561] {strides = array<i32>} : memref<3x128xi32, #tpu.memory_space<vmem>>, vector<16xi32>,
        tpu.vector_store %arg10[%swap3A_560, %swap3A_561], %add3A_558 {strides = array<i32>} : memref<3x128xi32, #tpu.memory_space<vmem>>, vector<16xi32>,
        %add3A_563 = arith.constant 2 : i32
        %add3A_564 = vector.broadcast %add3A_563 : i32 to vector<16xi32>
        %add3A_565 = arith.addi %mul3A_537, %add3A_564 : vector<16xi32>
        %swap3A_566 = arith.constant 2 : i32
        %swap3A_567 = arith.index_cast %swap3A_566 : i32 to index
        %swap3A_568 = arith.constant 112 : index
        %swap3A_569 = tpu.vector_load %arg10[%swap3A_567, %swap3A_568] {strides = array<i32>} : memref<3x128xi32, #tpu.memory_space<vmem>>, vector<16xi32>,
        tpu.vector_store %arg10[%swap3A_567, %swap3A_568], %add3A_565 {strides = array<i32>} : memref<3x128xi32, #tpu.memory_space<vmem>>, vector<16xi32>,
        %run_scoped3A = arith.constant 0 : i32
        %run_scoped3A_570 = arith.constant 0 : i32
        "tpu.region"() ({
          %run_scoped3A_575 = tpu.sem_alloc : memref<!tpu.dma_semaphore, #tpu.memory_space<semaphore_mem>>
          %dma_start3A_576 = arith.constant 0 : i32
          %dma_start3A_577 = tpu.memref_slice %arg9[%run_scoped3A, %dma_start3A_576] : memref<3x128xf32, #tpu.memory_space<vmem>> -> memref<1x128xf32, #tpu.memory_space<vmem>>
          %dma_start3A_578 = tpu.memref_squeeze %dma_start3A_577 : memref<1x128xf32, #tpu.memory_space<vmem>> -> memref<128xf32, #tpu.memory_space<vmem>>
          %dma_start3A_579 = arith.constant 0 : i32
          %dma_start3A_580 = tpu.memref_slice %arg10[%run_scoped3A_570, %dma_start3A_579] : memref<3x128xi32, #tpu.memory_space<vmem>> -> memref<1x128xi32, #tpu.memory_space<vmem>>
          %dma_start3A_581 = tpu.memref_squeeze %dma_start3A_580 : memref<1x128xi32, #tpu.memory_space<vmem>> -> memref<128xi32, #tpu.memory_space<vmem>>
          %dma_start3A_582 = arith.constant 0 : i32
          %dma_start3A_583 = tpu.memref_slice %arg12[%dma_start3A_582] : memref<163840xf32, #tpu.memory_space<vmem_shared>> -> memref<163840xf32, #tpu.memory_space<vmem_shared>>
          tpu.enqueue_indirect_dma source(%dma_start3A_578 : memref<128xf32, #tpu.memory_space<vmem>>) target(%dma_start3A_583 : memref<163840xf32, #tpu.memory_space<vmem_shared>>) offsets(%dma_start3A_581 : memref<128xi32, #tpu.memory_space<vmem>>) semaphore(%run_scoped3A_575 : memref<!tpu.dma_semaphore, #tpu.memory_space<semaphore_mem>>) {add = true}
          %dma_wait3A_584 = arith.constant 0 : i32
          %dma_wait3A_585 = tpu.memref_slice %arg9[%run_scoped3A, %dma_wait3A_584] : memref<3x128xf32, #tpu.memory_space<vmem>> -> memref<1x128xf32, #tpu.memory_space<vmem>>
          %dma_wait3A_586 = tpu.memref_squeeze %dma_wait3A_585 : memref<1x128xf32, #tpu.memory_space<vmem>> -> memref<128xf32, #tpu.memory_space<vmem>>
          %dma_wait3A_587 = arith.constant 0 : i32
          %dma_wait3A_588 = tpu.memref_slice %arg10[%run_scoped3A_570, %dma_wait3A_587] : memref<3x128xi32, #tpu.memory_space<vmem>> -> memref<1x128xi32, #tpu.memory_space<vmem>>
          %dma_wait3A_589 = tpu.memref_squeeze %dma_wait3A_588 : memref<1x128xi32, #tpu.memory_space<vmem>> -> memref<128xi32, #tpu.memory_space<vmem>>
          %dma_wait3A_590 = arith.constant 0 : i32
          %dma_wait3A_591 = tpu.memref_slice %arg12[%dma_wait3A_590] : memref<163840xf32, #tpu.memory_space<vmem_shared>> -> memref<163840xf32, #tpu.memory_space<vmem_shared>>
          tpu.wait_indirect_dma semaphore(%run_scoped3A_575 : memref<!tpu.dma_semaphore, #tpu.memory_space<semaphore_mem>>) src(%dma_wait3A_586 : memref<128xf32, #tpu.memory_space<vmem>>) dst(%dma_wait3A_591 : memref<163840xf32, #tpu.memory_space<vmem_shared>>)
          tpu.yield
        }) : () -> ()
        %run_scoped3A_571 = arith.constant 1 : i32
        %run_scoped3A_572 = arith.constant 1 : i32
        "tpu.region"() ({
          %run_scoped3A_575 = tpu.sem_alloc : memref<!tpu.dma_semaphore, #tpu.memory_space<semaphore_mem>>
          %dma_start3A_576 = arith.constant 0 : i32
          %dma_start3A_577 = tpu.memref_slice %arg9[%run_scoped3A_571, %dma_start3A_576] : memref<3x128xf32, #tpu.memory_space<vmem>> -> memref<1x128xf32, #tpu.memory_space<vmem>>
          %dma_start3A_578 = tpu.memref_squeeze %dma_start3A_577 : memref<1x128xf32, #tpu.memory_space<vmem>> -> memref<128xf32, #tpu.memory_space<vmem>>
          %dma_start3A_579 = arith.constant 0 : i32
          %dma_start3A_580 = tpu.memref_slice %arg10[%run_scoped3A_572, %dma_start3A_579] : memref<3x128xi32, #tpu.memory_space<vmem>> -> memref<1x128xi32, #tpu.memory_space<vmem>>
          %dma_start3A_581 = tpu.memref_squeeze %dma_start3A_580 : memref<1x128xi32, #tpu.memory_space<vmem>> -> memref<128xi32, #tpu.memory_space<vmem>>
          %dma_start3A_582 = arith.constant 0 : i32
          %dma_start3A_583 = tpu.memref_slice %arg12[%dma_start3A_582] : memref<163840xf32, #tpu.memory_space<vmem_shared>> -> memref<163840xf32, #tpu.memory_space<vmem_shared>>
          tpu.enqueue_indirect_dma source(%dma_start3A_578 : memref<128xf32, #tpu.memory_space<vmem>>) target(%dma_start3A_583 : memref<163840xf32, #tpu.memory_space<vmem_shared>>) offsets(%dma_start3A_581 : memref<128xi32, #tpu.memory_space<vmem>>) semaphore(%run_scoped3A_575 : memref<!tpu.dma_semaphore, #tpu.memory_space<semaphore_mem>>) {add = true}
          %dma_wait3A_584 = arith.constant 0 : i32
          %dma_wait3A_585 = tpu.memref_slice %arg9[%run_scoped3A_571, %dma_wait3A_584] : memref<3x128xf32, #tpu.memory_space<vmem>> -> memref<1x128xf32, #tpu.memory_space<vmem>>
          %dma_wait3A_586 = tpu.memref_squeeze %dma_wait3A_585 : memref<1x128xf32, #tpu.memory_space<vmem>> -> memref<128xf32, #tpu.memory_space<vmem>>
          %dma_wait3A_587 = arith.constant 0 : i32
          %dma_wait3A_588 = tpu.memref_slice %arg10[%run_scoped3A_572, %dma_wait3A_587] : memref<3x128xi32, #tpu.memory_space<vmem>> -> memref<1x128xi32, #tpu.memory_space<vmem>>
          %dma_wait3A_589 = tpu.memref_squeeze %dma_wait3A_588 : memref<1x128xi32, #tpu.memory_space<vmem>> -> memref<128xi32, #tpu.memory_space<vmem>>
          %dma_wait3A_590 = arith.constant 0 : i32
          %dma_wait3A_591 = tpu.memref_slice %arg12[%dma_wait3A_590] : memref<163840xf32, #tpu.memory_space<vmem_shared>> -> memref<163840xf32, #tpu.memory_space<vmem_shared>>
          tpu.wait_indirect_dma semaphore(%run_scoped3A_575 : memref<!tpu.dma_semaphore, #tpu.memory_space<semaphore_mem>>) src(%dma_wait3A_586 : memref<128xf32, #tpu.memory_space<vmem>>) dst(%dma_wait3A_591 : memref<163840xf32, #tpu.memory_space<vmem_shared>>)
          tpu.yield
        }) : () -> ()
        %run_scoped3A_573 = arith.constant 2 : i32
        %run_scoped3A_574 = arith.constant 2 : i32
        "tpu.region"() ({
          %run_scoped3A_575 = tpu.sem_alloc : memref<!tpu.dma_semaphore, #tpu.memory_space<semaphore_mem>>
          %dma_start3A_576 = arith.constant 0 : i32
          %dma_start3A_577 = tpu.memref_slice %arg9[%run_scoped3A_573, %dma_start3A_576] : memref<3x128xf32, #tpu.memory_space<vmem>> -> memref<1x128xf32, #tpu.memory_space<vmem>>
          %dma_start3A_578 = tpu.memref_squeeze %dma_start3A_577 : memref<1x128xf32, #tpu.memory_space<vmem>> -> memref<128xf32, #tpu.memory_space<vmem>>
          %dma_start3A_579 = arith.constant 0 : i32
          %dma_start3A_580 = tpu.memref_slice %arg10[%run_scoped3A_574, %dma_start3A_579] : memref<3x128xi32, #tpu.memory_space<vmem>> -> memref<1x128xi32, #tpu.memory_space<vmem>>
          %dma_start3A_581 = tpu.memref_squeeze %dma_start3A_580 : memref<1x128xi32, #tpu.memory_space<vmem>> -> memref<128xi32, #tpu.memory_space<vmem>>
          %dma_start3A_582 = arith.constant 0 : i32
          %dma_start3A_583 = tpu.memref_slice %arg12[%dma_start3A_582] : memref<163840xf32, #tpu.memory_space<vmem_shared>> -> memref<163840xf32, #tpu.memory_space<vmem_shared>>
          tpu.enqueue_indirect_dma source(%dma_start3A_578 : memref<128xf32, #tpu.memory_space<vmem>>) target(%dma_start3A_583 : memref<163840xf32, #tpu.memory_space<vmem_shared>>) offsets(%dma_start3A_581 : memref<128xi32, #tpu.memory_space<vmem>>) semaphore(%run_scoped3A_575 : memref<!tpu.dma_semaphore, #tpu.memory_space<semaphore_mem>>) {add = true}
          %dma_wait3A_584 = arith.constant 0 : i32
          %dma_wait3A_585 = tpu.memref_slice %arg9[%run_scoped3A_573, %dma_wait3A_584] : memref<3x128xf32, #tpu.memory_space<vmem>> -> memref<1x128xf32, #tpu.memory_space<vmem>>
          %dma_wait3A_586 = tpu.memref_squeeze %dma_wait3A_585 : memref<1x128xf32, #tpu.memory_space<vmem>> -> memref<128xf32, #tpu.memory_space<vmem>>
          %dma_wait3A_587 = arith.constant 0 : i32
          %dma_wait3A_588 = tpu.memref_slice %arg10[%run_scoped3A_574, %dma_wait3A_587] : memref<3x128xi32, #tpu.memory_space<vmem>> -> memref<1x128xi32, #tpu.memory_space<vmem>>
          %dma_wait3A_589 = tpu.memref_squeeze %dma_wait3A_588 : memref<1x128xi32, #tpu.memory_space<vmem>> -> memref<128xi32, #tpu.memory_space<vmem>>
          %dma_wait3A_590 = arith.constant 0 : i32
          %dma_wait3A_591 = tpu.memref_slice %arg12[%dma_wait3A_590] : memref<163840xf32, #tpu.memory_space<vmem_shared>> -> memref<163840xf32, #tpu.memory_space<vmem_shared>>
          tpu.wait_indirect_dma semaphore(%run_scoped3A_575 : memref<!tpu.dma_semaphore, #tpu.memory_space<semaphore_mem>>) src(%dma_wait3A_586 : memref<128xf32, #tpu.memory_space<vmem>>) dst(%dma_wait3A_591 : memref<163840xf32, #tpu.memory_space<vmem_shared>>)
          tpu.yield
        }) : () -> ()
      } else {
      }
      %scan3A_39 = arith.constant 0 : i32
      scf.yield %scan3A_39 : i32
    }
    %scan3A_33 = arith.constant 79 : i32
    %barrier3A_34 = arith.constant 0 : index
    tpu.barrier barrier_id(%barrier3A_34)
    "tpu.region"() ({
      %run_scoped3A = tpu.sem_alloc : memref<!tpu.dma_semaphore, #tpu.memory_space<semaphore_mem>>
      %dma_start3A = arith.constant 0 : i32
      %dma_start3A_35 = tpu.memref_slice %arg5[%arg0, %dma_start3A] : memref<2x163840xf32, #tpu.memory_space<hbm>> -> memref<1x163840xf32, #tpu.memory_space<hbm>>
      %dma_start3A_36 = tpu.memref_squeeze %dma_start3A_35 : memref<1x163840xf32, #tpu.memory_space<hbm>> -> memref<163840xf32, #tpu.memory_space<hbm>>
      %dma_start3A_37 = tpu.memref_slice %dma_start3A_36[%mul3A_8] : memref<163840xf32, #tpu.memory_space<hbm>> -> memref<10240xf32, #tpu.memory_space<hbm>>
      %dma_start3A_38 = tpu.memref_slice %arg12[%mul3A_8] : memref<163840xf32, #tpu.memory_space<vmem_shared>> -> memref<10240xf32, #tpu.memory_space<vmem_shared>>
      tpu.enqueue_dma source(%dma_start3A_38 : memref<10240xf32, #tpu.memory_space<vmem_shared>>) target(%dma_start3A_37 : memref<10240xf32, #tpu.memory_space<hbm>>) target_semaphore(%run_scoped3A : memref<!tpu.dma_semaphore, #tpu.memory_space<semaphore_mem>>)
      %dma_wait3A = arith.constant 0 : i32
      %dma_wait3A_39 = tpu.memref_slice %arg5[%arg0, %dma_wait3A] : memref<2x163840xf32, #tpu.memory_space<hbm>> -> memref<1x163840xf32, #tpu.memory_space<hbm>>
      %dma_wait3A_40 = tpu.memref_squeeze %dma_wait3A_39 : memref<1x163840xf32, #tpu.memory_space<hbm>> -> memref<163840xf32, #tpu.memory_space<hbm>>
      %dma_wait3A_41 = tpu.memref_slice %dma_wait3A_40[%mul3A_8] : memref<163840xf32, #tpu.memory_space<hbm>> -> memref<10240xf32, #tpu.memory_space<hbm>>
      %dma_wait3A_42 = tpu.memref_slice %arg12[%mul3A_8] : memref<163840xf32, #tpu.memory_space<vmem_shared>> -> memref<10240xf32, #tpu.memory_space<vmem_shared>>
      tpu.wait_dma2 semaphore(%run_scoped3A : memref<!tpu.dma_semaphore, #tpu.memory_space<semaphore_mem>>) src(%dma_wait3A_42 : memref<10240xf32, #tpu.memory_space<vmem_shared>>) dst(%dma_wait3A_41 : memref<10240xf32, #tpu.memory_space<hbm>>)
      tpu.yield
    }) : () -> ()
    return
  }
}

#map = affine_map<(d0, d1) -> (0, 0)>
#map1 = affine_map<(d0, d1) -> (0, 0, 0)>
module attributes {stable_mosaic.version = 14 : i64} {
  func.func @_edge1_body(%arg0: i32, %arg1: i32, %arg2: memref<10000x64xf32, #tpu.memory_space<hbm>>, %arg3: memref<10000x16xf32, #tpu.memory_space<hbm>>, %arg4: memref<10000x16xf32, #tpu.memory_space<hbm>>, %arg5: memref<2500x128xi32, #tpu.memory_space<hbm>>, %arg6: memref<2500x128xi32, #tpu.memory_space<hbm>>, %arg7: memref<2x10240x64xf32, #tpu.memory_space<hbm>>, %arg8: memref<2x10240x16xf32, #tpu.memory_space<hbm>>, %arg9: memref<128xi32, #tpu.memory_space<vmem>>, %arg10: memref<128xi32, #tpu.memory_space<vmem>>, %arg11: memref<128x64xf32, #tpu.memory_space<vmem>>, %arg12: memref<128x16xf32, #tpu.memory_space<vmem>>, %arg13: memref<128x16xf32, #tpu.memory_space<vmem>>, %arg14: memref<128x64xf32, #tpu.memory_space<vmem>>, %arg15: memref<128x16xf32, #tpu.memory_space<vmem>>, %arg16: memref<10240x64xf32, #tpu.memory_space<vmem_shared>>, %arg17: memref<10240x16xf32, #tpu.memory_space<vmem_shared>>, %arg18: memref<!tpu.dma_semaphore, #tpu.memory_space<semaphore_mem>>, %arg19: memref<!tpu.dma_semaphore, #tpu.memory_space<semaphore_mem>>, %arg20: memref<!tpu.dma_semaphore, #tpu.memory_space<semaphore_mem>>) attributes {dimension_semantics = [#tpu.dimension_semantics<core_parallel>, #tpu.dimension_semantics<subcore_parallel>], iteration_bounds = array<i64: 2, 16>, scalar_prefetch = 0 : i64, scratch_operands = 12 : i64, tpu.core_type = #tpu.core_type<sc_vector_subcore>, window_params = [{transform_indices = #map}, {transform_indices = #map}, {transform_indices = #map}, {transform_indices = #map}, {transform_indices = #map}, {transform_indices = #map1}, {transform_indices = #map1}]} {
    %scan3A = arith.constant 0 : i32
    %scan3A_0 = arith.constant 0 : i32
    %scan3A_1 = arith.constant 128 : i32
    %scan3A_2 = arith.addi %scan3A_0, %scan3A_1 : i32
    %scan3A_3 = arith.constant 1 : i32
    %scan3A_4 = scf.for %scan3A_45 = %scan3A_0 to %scan3A_2 step %scan3A_3 iter_args(%scan3A_46 = %scan3A) -> (i32)  : i32 {
      %broadcast_in_dim3A = arith.constant 0.000000e+00 : f32
      %broadcast_in_dim3A_47 = vector.broadcast %broadcast_in_dim3A : f32 to vector<16xf32>
      %swap3A = arith.index_cast %scan3A_45 : i32 to index
      %swap3A_48 = arith.constant 0 : index
      %swap3A_49 = tpu.vector_load %arg14[%swap3A, %swap3A_48] {strides = array<i32>} : memref<128x64xf32, #tpu.memory_space<vmem>>, vector<16xf32>,
      tpu.vector_store %arg14[%swap3A, %swap3A_48], %broadcast_in_dim3A_47 {strides = array<i32>} : memref<128x64xf32, #tpu.memory_space<vmem>>, vector<16xf32>,
      %broadcast_in_dim3A_50 = arith.constant 0.000000e+00 : f32
      %broadcast_in_dim3A_51 = vector.broadcast %broadcast_in_dim3A_50 : f32 to vector<16xf32>
      %swap3A_52 = arith.index_cast %scan3A_45 : i32 to index
      %swap3A_53 = arith.constant 16 : index
      %swap3A_54 = tpu.vector_load %arg14[%swap3A_52, %swap3A_53] {strides = array<i32>} : memref<128x64xf32, #tpu.memory_space<vmem>>, vector<16xf32>,
      tpu.vector_store %arg14[%swap3A_52, %swap3A_53], %broadcast_in_dim3A_51 {strides = array<i32>} : memref<128x64xf32, #tpu.memory_space<vmem>>, vector<16xf32>,
      %broadcast_in_dim3A_55 = arith.constant 0.000000e+00 : f32
      %broadcast_in_dim3A_56 = vector.broadcast %broadcast_in_dim3A_55 : f32 to vector<16xf32>
      %swap3A_57 = arith.index_cast %scan3A_45 : i32 to index
      %swap3A_58 = arith.constant 32 : index
      %swap3A_59 = tpu.vector_load %arg14[%swap3A_57, %swap3A_58] {strides = array<i32>} : memref<128x64xf32, #tpu.memory_space<vmem>>, vector<16xf32>,
      tpu.vector_store %arg14[%swap3A_57, %swap3A_58], %broadcast_in_dim3A_56 {strides = array<i32>} : memref<128x64xf32, #tpu.memory_space<vmem>>, vector<16xf32>,
      %broadcast_in_dim3A_60 = arith.constant 0.000000e+00 : f32
      %broadcast_in_dim3A_61 = vector.broadcast %broadcast_in_dim3A_60 : f32 to vector<16xf32>
      %swap3A_62 = arith.index_cast %scan3A_45 : i32 to index
      %swap3A_63 = arith.constant 48 : index
      %swap3A_64 = tpu.vector_load %arg14[%swap3A_62, %swap3A_63] {strides = array<i32>} : memref<128x64xf32, #tpu.memory_space<vmem>>, vector<16xf32>,
      tpu.vector_store %arg14[%swap3A_62, %swap3A_63], %broadcast_in_dim3A_61 {strides = array<i32>} : memref<128x64xf32, #tpu.memory_space<vmem>>, vector<16xf32>,
      %broadcast_in_dim3A_65 = arith.constant 0.000000e+00 : f32
      %broadcast_in_dim3A_66 = vector.broadcast %broadcast_in_dim3A_65 : f32 to vector<16xf32>
      %swap3A_67 = arith.index_cast %scan3A_45 : i32 to index
      %swap3A_68 = arith.constant 0 : index
      %swap3A_69 = tpu.vector_load %arg15[%swap3A_67, %swap3A_68] {strides = array<i32>} : memref<128x16xf32, #tpu.memory_space<vmem>>, vector<16xf32>,
      tpu.vector_store %arg15[%swap3A_67, %swap3A_68], %broadcast_in_dim3A_66 {strides = array<i32>} : memref<128x16xf32, #tpu.memory_space<vmem>>, vector<16xf32>,
      %scan3A_70 = arith.constant 0 : i32
      scf.yield %scan3A_70 : i32
    }
    %scan3A_5 = arith.constant 128 : i32
    %mul3A = arith.constant 640 : i32
    %mul3A_6 = arith.muli %arg1, %mul3A : i32
    %add3A = arith.constant 0 : i32
    %add3A_7 = arith.addi %mul3A_6, %add3A : i32
    "tpu.region"() ({
      %run_scoped3A = tpu.sem_alloc : memref<!tpu.dma_semaphore, #tpu.memory_space<semaphore_mem>>
      %dma_start3A = arith.constant 0 : i32
      %dma_start3A_45 = tpu.memref_slice %arg16[%add3A_7, %dma_start3A] : memref<10240x64xf32, #tpu.memory_space<vmem_shared>> -> memref<128x64xf32, #tpu.memory_space<vmem_shared>>
      %dma_start3A_46 = arith.constant 0 : i32
      %dma_start3A_47 = tpu.memref_slice %arg16[%add3A_7, %dma_start3A_46] : memref<10240x64xf32, #tpu.memory_space<vmem_shared>> -> memref<128x64xf32, #tpu.memory_space<vmem_shared>>
      tpu.enqueue_dma source(%arg14 : memref<128x64xf32, #tpu.memory_space<vmem>>) target(%dma_start3A_47 : memref<128x64xf32, #tpu.memory_space<vmem_shared>>) target_semaphore(%run_scoped3A : memref<!tpu.dma_semaphore, #tpu.memory_space<semaphore_mem>>)
      %dma_wait3A = arith.constant 0 : i32
      %dma_wait3A_48 = tpu.memref_slice %arg16[%add3A_7, %dma_wait3A] : memref<10240x64xf32, #tpu.memory_space<vmem_shared>> -> memref<128x64xf32, #tpu.memory_space<vmem_shared>>
      %dma_wait3A_49 = arith.constant 0 : i32
      %dma_wait3A_50 = tpu.memref_slice %arg16[%add3A_7, %dma_wait3A_49] : memref<10240x64xf32, #tpu.memory_space<vmem_shared>> -> memref<128x64xf32, #tpu.memory_space<vmem_shared>>
      tpu.wait_dma2 semaphore(%run_scoped3A : memref<!tpu.dma_semaphore, #tpu.memory_space<semaphore_mem>>) src(%arg14 : memref<128x64xf32, #tpu.memory_space<vmem>>) dst(%dma_wait3A_50 : memref<128x64xf32, #tpu.memory_space<vmem_shared>>)
      tpu.yield
    }) : () -> ()
    %add3A_8 = arith.constant 0 : i32
    %add3A_9 = arith.addi %mul3A_6, %add3A_8 : i32
    "tpu.region"() ({
      %run_scoped3A = tpu.sem_alloc : memref<!tpu.dma_semaphore, #tpu.memory_space<semaphore_mem>>
      %dma_start3A = arith.constant 0 : i32
      %dma_start3A_45 = tpu.memref_slice %arg17[%add3A_9, %dma_start3A] : memref<10240x16xf32, #tpu.memory_space<vmem_shared>> -> memref<128x16xf32, #tpu.memory_space<vmem_shared>>
      %dma_start3A_46 = arith.constant 0 : i32
      %dma_start3A_47 = tpu.memref_slice %arg17[%add3A_9, %dma_start3A_46] : memref<10240x16xf32, #tpu.memory_space<vmem_shared>> -> memref<128x16xf32, #tpu.memory_space<vmem_shared>>
      tpu.enqueue_dma source(%arg15 : memref<128x16xf32, #tpu.memory_space<vmem>>) target(%dma_start3A_47 : memref<128x16xf32, #tpu.memory_space<vmem_shared>>) target_semaphore(%run_scoped3A : memref<!tpu.dma_semaphore, #tpu.memory_space<semaphore_mem>>)
      %dma_wait3A = arith.constant 0 : i32
      %dma_wait3A_48 = tpu.memref_slice %arg17[%add3A_9, %dma_wait3A] : memref<10240x16xf32, #tpu.memory_space<vmem_shared>> -> memref<128x16xf32, #tpu.memory_space<vmem_shared>>
      %dma_wait3A_49 = arith.constant 0 : i32
      %dma_wait3A_50 = tpu.memref_slice %arg17[%add3A_9, %dma_wait3A_49] : memref<10240x16xf32, #tpu.memory_space<vmem_shared>> -> memref<128x16xf32, #tpu.memory_space<vmem_shared>>
      tpu.wait_dma2 semaphore(%run_scoped3A : memref<!tpu.dma_semaphore, #tpu.memory_space<semaphore_mem>>) src(%arg15 : memref<128x16xf32, #tpu.memory_space<vmem>>) dst(%dma_wait3A_50 : memref<128x16xf32, #tpu.memory_space<vmem_shared>>)
      tpu.yield
    }) : () -> ()
    %add3A_10 = arith.constant 128 : i32
    %add3A_11 = arith.addi %mul3A_6, %add3A_10 : i32
    "tpu.region"() ({
      %run_scoped3A = tpu.sem_alloc : memref<!tpu.dma_semaphore, #tpu.memory_space<semaphore_mem>>
      %dma_start3A = arith.constant 0 : i32
      %dma_start3A_45 = tpu.memref_slice %arg16[%add3A_11, %dma_start3A] : memref<10240x64xf32, #tpu.memory_space<vmem_shared>> -> memref<128x64xf32, #tpu.memory_space<vmem_shared>>
      %dma_start3A_46 = arith.constant 0 : i32
      %dma_start3A_47 = tpu.memref_slice %arg16[%add3A_11, %dma_start3A_46] : memref<10240x64xf32, #tpu.memory_space<vmem_shared>> -> memref<128x64xf32, #tpu.memory_space<vmem_shared>>
      tpu.enqueue_dma source(%arg14 : memref<128x64xf32, #tpu.memory_space<vmem>>) target(%dma_start3A_47 : memref<128x64xf32, #tpu.memory_space<vmem_shared>>) target_semaphore(%run_scoped3A : memref<!tpu.dma_semaphore, #tpu.memory_space<semaphore_mem>>)
      %dma_wait3A = arith.constant 0 : i32
      %dma_wait3A_48 = tpu.memref_slice %arg16[%add3A_11, %dma_wait3A] : memref<10240x64xf32, #tpu.memory_space<vmem_shared>> -> memref<128x64xf32, #tpu.memory_space<vmem_shared>>
      %dma_wait3A_49 = arith.constant 0 : i32
      %dma_wait3A_50 = tpu.memref_slice %arg16[%add3A_11, %dma_wait3A_49] : memref<10240x64xf32, #tpu.memory_space<vmem_shared>> -> memref<128x64xf32, #tpu.memory_space<vmem_shared>>
      tpu.wait_dma2 semaphore(%run_scoped3A : memref<!tpu.dma_semaphore, #tpu.memory_space<semaphore_mem>>) src(%arg14 : memref<128x64xf32, #tpu.memory_space<vmem>>) dst(%dma_wait3A_50 : memref<128x64xf32, #tpu.memory_space<vmem_shared>>)
      tpu.yield
    }) : () -> ()
    %add3A_12 = arith.constant 128 : i32
    %add3A_13 = arith.addi %mul3A_6, %add3A_12 : i32
    "tpu.region"() ({
      %run_scoped3A = tpu.sem_alloc : memref<!tpu.dma_semaphore, #tpu.memory_space<semaphore_mem>>
      %dma_start3A = arith.constant 0 : i32
      %dma_start3A_45 = tpu.memref_slice %arg17[%add3A_13, %dma_start3A] : memref<10240x16xf32, #tpu.memory_space<vmem_shared>> -> memref<128x16xf32, #tpu.memory_space<vmem_shared>>
      %dma_start3A_46 = arith.constant 0 : i32
      %dma_start3A_47 = tpu.memref_slice %arg17[%add3A_13, %dma_start3A_46] : memref<10240x16xf32, #tpu.memory_space<vmem_shared>> -> memref<128x16xf32, #tpu.memory_space<vmem_shared>>
      tpu.enqueue_dma source(%arg15 : memref<128x16xf32, #tpu.memory_space<vmem>>) target(%dma_start3A_47 : memref<128x16xf32, #tpu.memory_space<vmem_shared>>) target_semaphore(%run_scoped3A : memref<!tpu.dma_semaphore, #tpu.memory_space<semaphore_mem>>)
      %dma_wait3A = arith.constant 0 : i32
      %dma_wait3A_48 = tpu.memref_slice %arg17[%add3A_13, %dma_wait3A] : memref<10240x16xf32, #tpu.memory_space<vmem_shared>> -> memref<128x16xf32, #tpu.memory_space<vmem_shared>>
      %dma_wait3A_49 = arith.constant 0 : i32
      %dma_wait3A_50 = tpu.memref_slice %arg17[%add3A_13, %dma_wait3A_49] : memref<10240x16xf32, #tpu.memory_space<vmem_shared>> -> memref<128x16xf32, #tpu.memory_space<vmem_shared>>
      tpu.wait_dma2 semaphore(%run_scoped3A : memref<!tpu.dma_semaphore, #tpu.memory_space<semaphore_mem>>) src(%arg15 : memref<128x16xf32, #tpu.memory_space<vmem>>) dst(%dma_wait3A_50 : memref<128x16xf32, #tpu.memory_space<vmem_shared>>)
      tpu.yield
    }) : () -> ()
    %add3A_14 = arith.constant 256 : i32
    %add3A_15 = arith.addi %mul3A_6, %add3A_14 : i32
    "tpu.region"() ({
      %run_scoped3A = tpu.sem_alloc : memref<!tpu.dma_semaphore, #tpu.memory_space<semaphore_mem>>
      %dma_start3A = arith.constant 0 : i32
      %dma_start3A_45 = tpu.memref_slice %arg16[%add3A_15, %dma_start3A] : memref<10240x64xf32, #tpu.memory_space<vmem_shared>> -> memref<128x64xf32, #tpu.memory_space<vmem_shared>>
      %dma_start3A_46 = arith.constant 0 : i32
      %dma_start3A_47 = tpu.memref_slice %arg16[%add3A_15, %dma_start3A_46] : memref<10240x64xf32, #tpu.memory_space<vmem_shared>> -> memref<128x64xf32, #tpu.memory_space<vmem_shared>>
      tpu.enqueue_dma source(%arg14 : memref<128x64xf32, #tpu.memory_space<vmem>>) target(%dma_start3A_47 : memref<128x64xf32, #tpu.memory_space<vmem_shared>>) target_semaphore(%run_scoped3A : memref<!tpu.dma_semaphore, #tpu.memory_space<semaphore_mem>>)
      %dma_wait3A = arith.constant 0 : i32
      %dma_wait3A_48 = tpu.memref_slice %arg16[%add3A_15, %dma_wait3A] : memref<10240x64xf32, #tpu.memory_space<vmem_shared>> -> memref<128x64xf32, #tpu.memory_space<vmem_shared>>
      %dma_wait3A_49 = arith.constant 0 : i32
      %dma_wait3A_50 = tpu.memref_slice %arg16[%add3A_15, %dma_wait3A_49] : memref<10240x64xf32, #tpu.memory_space<vmem_shared>> -> memref<128x64xf32, #tpu.memory_space<vmem_shared>>
      tpu.wait_dma2 semaphore(%run_scoped3A : memref<!tpu.dma_semaphore, #tpu.memory_space<semaphore_mem>>) src(%arg14 : memref<128x64xf32, #tpu.memory_space<vmem>>) dst(%dma_wait3A_50 : memref<128x64xf32, #tpu.memory_space<vmem_shared>>)
      tpu.yield
    }) : () -> ()
    %add3A_16 = arith.constant 256 : i32
    %add3A_17 = arith.addi %mul3A_6, %add3A_16 : i32
    "tpu.region"() ({
      %run_scoped3A = tpu.sem_alloc : memref<!tpu.dma_semaphore, #tpu.memory_space<semaphore_mem>>
      %dma_start3A = arith.constant 0 : i32
      %dma_start3A_45 = tpu.memref_slice %arg17[%add3A_17, %dma_start3A] : memref<10240x16xf32, #tpu.memory_space<vmem_shared>> -> memref<128x16xf32, #tpu.memory_space<vmem_shared>>
      %dma_start3A_46 = arith.constant 0 : i32
      %dma_start3A_47 = tpu.memref_slice %arg17[%add3A_17, %dma_start3A_46] : memref<10240x16xf32, #tpu.memory_space<vmem_shared>> -> memref<128x16xf32, #tpu.memory_space<vmem_shared>>
      tpu.enqueue_dma source(%arg15 : memref<128x16xf32, #tpu.memory_space<vmem>>) target(%dma_start3A_47 : memref<128x16xf32, #tpu.memory_space<vmem_shared>>) target_semaphore(%run_scoped3A : memref<!tpu.dma_semaphore, #tpu.memory_space<semaphore_mem>>)
      %dma_wait3A = arith.constant 0 : i32
      %dma_wait3A_48 = tpu.memref_slice %arg17[%add3A_17, %dma_wait3A] : memref<10240x16xf32, #tpu.memory_space<vmem_shared>> -> memref<128x16xf32, #tpu.memory_space<vmem_shared>>
      %dma_wait3A_49 = arith.constant 0 : i32
      %dma_wait3A_50 = tpu.memref_slice %arg17[%add3A_17, %dma_wait3A_49] : memref<10240x16xf32, #tpu.memory_space<vmem_shared>> -> memref<128x16xf32, #tpu.memory_space<vmem_shared>>
      tpu.wait_dma2 semaphore(%run_scoped3A : memref<!tpu.dma_semaphore, #tpu.memory_space<semaphore_mem>>) src(%arg15 : memref<128x16xf32, #tpu.memory_space<vmem>>) dst(%dma_wait3A_50 : memref<128x16xf32, #tpu.memory_space<vmem_shared>>)
      tpu.yield
    }) : () -> ()
    %add3A_18 = arith.constant 384 : i32
    %add3A_19 = arith.addi %mul3A_6, %add3A_18 : i32
    "tpu.region"() ({
      %run_scoped3A = tpu.sem_alloc : memref<!tpu.dma_semaphore, #tpu.memory_space<semaphore_mem>>
      %dma_start3A = arith.constant 0 : i32
      %dma_start3A_45 = tpu.memref_slice %arg16[%add3A_19, %dma_start3A] : memref<10240x64xf32, #tpu.memory_space<vmem_shared>> -> memref<128x64xf32, #tpu.memory_space<vmem_shared>>
      %dma_start3A_46 = arith.constant 0 : i32
      %dma_start3A_47 = tpu.memref_slice %arg16[%add3A_19, %dma_start3A_46] : memref<10240x64xf32, #tpu.memory_space<vmem_shared>> -> memref<128x64xf32, #tpu.memory_space<vmem_shared>>
      tpu.enqueue_dma source(%arg14 : memref<128x64xf32, #tpu.memory_space<vmem>>) target(%dma_start3A_47 : memref<128x64xf32, #tpu.memory_space<vmem_shared>>) target_semaphore(%run_scoped3A : memref<!tpu.dma_semaphore, #tpu.memory_space<semaphore_mem>>)
      %dma_wait3A = arith.constant 0 : i32
      %dma_wait3A_48 = tpu.memref_slice %arg16[%add3A_19, %dma_wait3A] : memref<10240x64xf32, #tpu.memory_space<vmem_shared>> -> memref<128x64xf32, #tpu.memory_space<vmem_shared>>
      %dma_wait3A_49 = arith.constant 0 : i32
      %dma_wait3A_50 = tpu.memref_slice %arg16[%add3A_19, %dma_wait3A_49] : memref<10240x64xf32, #tpu.memory_space<vmem_shared>> -> memref<128x64xf32, #tpu.memory_space<vmem_shared>>
      tpu.wait_dma2 semaphore(%run_scoped3A : memref<!tpu.dma_semaphore, #tpu.memory_space<semaphore_mem>>) src(%arg14 : memref<128x64xf32, #tpu.memory_space<vmem>>) dst(%dma_wait3A_50 : memref<128x64xf32, #tpu.memory_space<vmem_shared>>)
      tpu.yield
    }) : () -> ()
    %add3A_20 = arith.constant 384 : i32
    %add3A_21 = arith.addi %mul3A_6, %add3A_20 : i32
    "tpu.region"() ({
      %run_scoped3A = tpu.sem_alloc : memref<!tpu.dma_semaphore, #tpu.memory_space<semaphore_mem>>
      %dma_start3A = arith.constant 0 : i32
      %dma_start3A_45 = tpu.memref_slice %arg17[%add3A_21, %dma_start3A] : memref<10240x16xf32, #tpu.memory_space<vmem_shared>> -> memref<128x16xf32, #tpu.memory_space<vmem_shared>>
      %dma_start3A_46 = arith.constant 0 : i32
      %dma_start3A_47 = tpu.memref_slice %arg17[%add3A_21, %dma_start3A_46] : memref<10240x16xf32, #tpu.memory_space<vmem_shared>> -> memref<128x16xf32, #tpu.memory_space<vmem_shared>>
      tpu.enqueue_dma source(%arg15 : memref<128x16xf32, #tpu.memory_space<vmem>>) target(%dma_start3A_47 : memref<128x16xf32, #tpu.memory_space<vmem_shared>>) target_semaphore(%run_scoped3A : memref<!tpu.dma_semaphore, #tpu.memory_space<semaphore_mem>>)
      %dma_wait3A = arith.constant 0 : i32
      %dma_wait3A_48 = tpu.memref_slice %arg17[%add3A_21, %dma_wait3A] : memref<10240x16xf32, #tpu.memory_space<vmem_shared>> -> memref<128x16xf32, #tpu.memory_space<vmem_shared>>
      %dma_wait3A_49 = arith.constant 0 : i32
      %dma_wait3A_50 = tpu.memref_slice %arg17[%add3A_21, %dma_wait3A_49] : memref<10240x16xf32, #tpu.memory_space<vmem_shared>> -> memref<128x16xf32, #tpu.memory_space<vmem_shared>>
      tpu.wait_dma2 semaphore(%run_scoped3A : memref<!tpu.dma_semaphore, #tpu.memory_space<semaphore_mem>>) src(%arg15 : memref<128x16xf32, #tpu.memory_space<vmem>>) dst(%dma_wait3A_50 : memref<128x16xf32, #tpu.memory_space<vmem_shared>>)
      tpu.yield
    }) : () -> ()
    %add3A_22 = arith.constant 512 : i32
    %add3A_23 = arith.addi %mul3A_6, %add3A_22 : i32
    "tpu.region"() ({
      %run_scoped3A = tpu.sem_alloc : memref<!tpu.dma_semaphore, #tpu.memory_space<semaphore_mem>>
      %dma_start3A = arith.constant 0 : i32
      %dma_start3A_45 = tpu.memref_slice %arg16[%add3A_23, %dma_start3A] : memref<10240x64xf32, #tpu.memory_space<vmem_shared>> -> memref<128x64xf32, #tpu.memory_space<vmem_shared>>
      %dma_start3A_46 = arith.constant 0 : i32
      %dma_start3A_47 = tpu.memref_slice %arg16[%add3A_23, %dma_start3A_46] : memref<10240x64xf32, #tpu.memory_space<vmem_shared>> -> memref<128x64xf32, #tpu.memory_space<vmem_shared>>
      tpu.enqueue_dma source(%arg14 : memref<128x64xf32, #tpu.memory_space<vmem>>) target(%dma_start3A_47 : memref<128x64xf32, #tpu.memory_space<vmem_shared>>) target_semaphore(%run_scoped3A : memref<!tpu.dma_semaphore, #tpu.memory_space<semaphore_mem>>)
      %dma_wait3A = arith.constant 0 : i32
      %dma_wait3A_48 = tpu.memref_slice %arg16[%add3A_23, %dma_wait3A] : memref<10240x64xf32, #tpu.memory_space<vmem_shared>> -> memref<128x64xf32, #tpu.memory_space<vmem_shared>>
      %dma_wait3A_49 = arith.constant 0 : i32
      %dma_wait3A_50 = tpu.memref_slice %arg16[%add3A_23, %dma_wait3A_49] : memref<10240x64xf32, #tpu.memory_space<vmem_shared>> -> memref<128x64xf32, #tpu.memory_space<vmem_shared>>
      tpu.wait_dma2 semaphore(%run_scoped3A : memref<!tpu.dma_semaphore, #tpu.memory_space<semaphore_mem>>) src(%arg14 : memref<128x64xf32, #tpu.memory_space<vmem>>) dst(%dma_wait3A_50 : memref<128x64xf32, #tpu.memory_space<vmem_shared>>)
      tpu.yield
    }) : () -> ()
    %add3A_24 = arith.constant 512 : i32
    %add3A_25 = arith.addi %mul3A_6, %add3A_24 : i32
    "tpu.region"() ({
      %run_scoped3A = tpu.sem_alloc : memref<!tpu.dma_semaphore, #tpu.memory_space<semaphore_mem>>
      %dma_start3A = arith.constant 0 : i32
      %dma_start3A_45 = tpu.memref_slice %arg17[%add3A_25, %dma_start3A] : memref<10240x16xf32, #tpu.memory_space<vmem_shared>> -> memref<128x16xf32, #tpu.memory_space<vmem_shared>>
      %dma_start3A_46 = arith.constant 0 : i32
      %dma_start3A_47 = tpu.memref_slice %arg17[%add3A_25, %dma_start3A_46] : memref<10240x16xf32, #tpu.memory_space<vmem_shared>> -> memref<128x16xf32, #tpu.memory_space<vmem_shared>>
      tpu.enqueue_dma source(%arg15 : memref<128x16xf32, #tpu.memory_space<vmem>>) target(%dma_start3A_47 : memref<128x16xf32, #tpu.memory_space<vmem_shared>>) target_semaphore(%run_scoped3A : memref<!tpu.dma_semaphore, #tpu.memory_space<semaphore_mem>>)
      %dma_wait3A = arith.constant 0 : i32
      %dma_wait3A_48 = tpu.memref_slice %arg17[%add3A_25, %dma_wait3A] : memref<10240x16xf32, #tpu.memory_space<vmem_shared>> -> memref<128x16xf32, #tpu.memory_space<vmem_shared>>
      %dma_wait3A_49 = arith.constant 0 : i32
      %dma_wait3A_50 = tpu.memref_slice %arg17[%add3A_25, %dma_wait3A_49] : memref<10240x16xf32, #tpu.memory_space<vmem_shared>> -> memref<128x16xf32, #tpu.memory_space<vmem_shared>>
      tpu.wait_dma2 semaphore(%run_scoped3A : memref<!tpu.dma_semaphore, #tpu.memory_space<semaphore_mem>>) src(%arg15 : memref<128x16xf32, #tpu.memory_space<vmem>>) dst(%dma_wait3A_50 : memref<128x16xf32, #tpu.memory_space<vmem_shared>>)
      tpu.yield
    }) : () -> ()
    %barrier3A = arith.constant 0 : index
    tpu.barrier barrier_id(%barrier3A)
    %lt3A = arith.constant 2 : i32
    %lt3A_26 = arith.cmpi slt, %arg1, %lt3A : i32
    %jit3A = arith.constant 79 : i32
    %jit3A_27 = arith.constant 78 : i32
    %select_n3A = arith.select %lt3A_26, %jit3A, %jit3A_27 : i32
    %mul3A_28 = arith.constant 1250 : i32
    %mul3A_29 = arith.muli %arg0, %mul3A_28 : i32
    %mul3A_30 = arith.constant 78 : i32
    %mul3A_31 = arith.muli %mul3A_30, %arg1 : i32
    %add3A_32 = arith.addi %mul3A_29, %mul3A_31 : i32
    %min3A = arith.constant 2 : i32
    %min3A_33 = arith.minsi %arg1, %min3A : i32
    %add3A_34 = arith.addi %add3A_32, %min3A_33 : i32
    %iota3A = tpu.iota {dimensions = array<i32: 0>} : vector<16xi32>
    %rem3A = arith.constant 8 : i32
    %rem3A_35 = vector.broadcast %rem3A : i32 to vector<16xi32>
    %rem3A_36 = arith.remsi %iota3A, %rem3A_35 : vector<16xi32>
    %scan3A_37 = arith.constant 0 : i32
    %scan3A_38 = arith.constant 0 : i32
    %scan3A_39 = arith.constant 79 : i32
    %scan3A_40 = arith.addi %scan3A_38, %scan3A_39 : i32
    %scan3A_41 = arith.constant 1 : i32
    %scan3A_42 = scf.for %scan3A_45 = %scan3A_38 to %scan3A_40 step %scan3A_41 iter_args(%scan3A_46 = %scan3A_37) -> (i32)  : i32 {
      %lt3A_47 = arith.cmpi slt, %scan3A_45, %select_n3A : i32
      %convert_element_type3A = arith.extui %lt3A_47 : i1 to i32
      %cond3A = arith.constant 0 : i32
      %cond3A_48 = arith.cmpi ne, %convert_element_type3A, %cond3A : i32
      scf.if %cond3A_48 {
        %add3A_50 = arith.addi %add3A_34, %scan3A_45 : i32
        %dma_start3A = arith.constant 0 : i32
        %dma_start3A_51 = tpu.memref_slice %arg5[%add3A_50, %dma_start3A] : memref<2500x128xi32, #tpu.memory_space<hbm>> -> memref<1x128xi32, #tpu.memory_space<hbm>>
        %dma_start3A_52 = tpu.memref_squeeze %dma_start3A_51 : memref<1x128xi32, #tpu.memory_space<hbm>> -> memref<128xi32, #tpu.memory_space<hbm>>
        %dma_start3A_53 = arith.constant 0 : i32
        %dma_start3A_54 = tpu.memref_slice %arg5[%add3A_50, %dma_start3A_53] : memref<2500x128xi32, #tpu.memory_space<hbm>> -> memref<1x128xi32, #tpu.memory_space<hbm>>
        %dma_start3A_55 = tpu.memref_squeeze %dma_start3A_54 : memref<1x128xi32, #tpu.memory_space<hbm>> -> memref<128xi32, #tpu.memory_space<hbm>>
        tpu.enqueue_dma source(%dma_start3A_55 : memref<128xi32, #tpu.memory_space<hbm>>) target(%arg9 : memref<128xi32, #tpu.memory_space<vmem>>) target_semaphore(%arg18 : memref<!tpu.dma_semaphore, #tpu.memory_space<semaphore_mem>>)
        %dma_start3A_56 = arith.constant 0 : i32
        %dma_start3A_57 = tpu.memref_slice %arg6[%add3A_50, %dma_start3A_56] : memref<2500x128xi32, #tpu.memory_space<hbm>> -> memref<1x128xi32, #tpu.memory_space<hbm>>
        %dma_start3A_58 = tpu.memref_squeeze %dma_start3A_57 : memref<1x128xi32, #tpu.memory_space<hbm>> -> memref<128xi32, #tpu.memory_space<hbm>>
        %dma_start3A_59 = arith.constant 0 : i32
        %dma_start3A_60 = tpu.memref_slice %arg6[%add3A_50, %dma_start3A_59] : memref<2500x128xi32, #tpu.memory_space<hbm>> -> memref<1x128xi32, #tpu.memory_space<hbm>>
        %dma_start3A_61 = tpu.memref_squeeze %dma_start3A_60 : memref<1x128xi32, #tpu.memory_space<hbm>> -> memref<128xi32, #tpu.memory_space<hbm>>
        tpu.enqueue_dma source(%dma_start3A_61 : memref<128xi32, #tpu.memory_space<hbm>>) target(%arg10 : memref<128xi32, #tpu.memory_space<vmem>>) target_semaphore(%arg19 : memref<!tpu.dma_semaphore, #tpu.memory_space<semaphore_mem>>)
        %dma_wait3A = arith.constant 0 : i32
        %dma_wait3A_62 = tpu.memref_slice %arg5[%add3A_50, %dma_wait3A] : memref<2500x128xi32, #tpu.memory_space<hbm>> -> memref<1x128xi32, #tpu.memory_space<hbm>>
        %dma_wait3A_63 = tpu.memref_squeeze %dma_wait3A_62 : memref<1x128xi32, #tpu.memory_space<hbm>> -> memref<128xi32, #tpu.memory_space<hbm>>
        %dma_wait3A_64 = arith.constant 0 : i32
        %dma_wait3A_65 = tpu.memref_slice %arg5[%add3A_50, %dma_wait3A_64] : memref<2500x128xi32, #tpu.memory_space<hbm>> -> memref<1x128xi32, #tpu.memory_space<hbm>>
        %dma_wait3A_66 = tpu.memref_squeeze %dma_wait3A_65 : memref<1x128xi32, #tpu.memory_space<hbm>> -> memref<128xi32, #tpu.memory_space<hbm>>
        tpu.wait_dma2 semaphore(%arg18 : memref<!tpu.dma_semaphore, #tpu.memory_space<semaphore_mem>>) src(%dma_wait3A_66 : memref<128xi32, #tpu.memory_space<hbm>>) dst(%arg9 : memref<128xi32, #tpu.memory_space<vmem>>)
        %dma_wait3A_67 = arith.constant 0 : i32
        %dma_wait3A_68 = tpu.memref_slice %arg6[%add3A_50, %dma_wait3A_67] : memref<2500x128xi32, #tpu.memory_space<hbm>> -> memref<1x128xi32, #tpu.memory_space<hbm>>
        %dma_wait3A_69 = tpu.memref_squeeze %dma_wait3A_68 : memref<1x128xi32, #tpu.memory_space<hbm>> -> memref<128xi32, #tpu.memory_space<hbm>>
        %dma_wait3A_70 = arith.constant 0 : i32
        %dma_wait3A_71 = tpu.memref_slice %arg6[%add3A_50, %dma_wait3A_70] : memref<2500x128xi32, #tpu.memory_space<hbm>> -> memref<1x128xi32, #tpu.memory_space<hbm>>
        %dma_wait3A_72 = tpu.memref_squeeze %dma_wait3A_71 : memref<1x128xi32, #tpu.memory_space<hbm>> -> memref<128xi32, #tpu.memory_space<hbm>>
        tpu.wait_dma2 semaphore(%arg19 : memref<!tpu.dma_semaphore, #tpu.memory_space<semaphore_mem>>) src(%dma_wait3A_72 : memref<128xi32, #tpu.memory_space<hbm>>) dst(%arg10 : memref<128xi32, #tpu.memory_space<vmem>>)
        %dma_start3A_73 = arith.constant 0 : i32
        %dma_start3A_74 = arith.constant 0 : i32
        %dma_start3A_75 = tpu.memref_slice %arg2[%dma_start3A_73, %dma_start3A_74] : memref<10000x64xf32, #tpu.memory_space<hbm>> -> memref<10000x64xf32, #tpu.memory_space<hbm>>
        tpu.enqueue_indirect_dma source(%dma_start3A_75 : memref<10000x64xf32, #tpu.memory_space<hbm>>) target(%arg11 : memref<128x64xf32, #tpu.memory_space<vmem>>) offsets(%arg9 : memref<128xi32, #tpu.memory_space<vmem>>) semaphore(%arg18 : memref<!tpu.dma_semaphore, #tpu.memory_space<semaphore_mem>>)
        %dma_start3A_76 = arith.constant 0 : i32
        %dma_start3A_77 = arith.constant 0 : i32
        %dma_start3A_78 = tpu.memref_slice %arg3[%dma_start3A_76, %dma_start3A_77] : memref<10000x16xf32, #tpu.memory_space<hbm>> -> memref<10000x16xf32, #tpu.memory_space<hbm>>
        tpu.enqueue_indirect_dma source(%dma_start3A_78 : memref<10000x16xf32, #tpu.memory_space<hbm>>) target(%arg12 : memref<128x16xf32, #tpu.memory_space<vmem>>) offsets(%arg9 : memref<128xi32, #tpu.memory_space<vmem>>) semaphore(%arg19 : memref<!tpu.dma_semaphore, #tpu.memory_space<semaphore_mem>>)
        %dma_start3A_79 = arith.constant 0 : i32
        %dma_start3A_80 = arith.constant 0 : i32
        %dma_start3A_81 = tpu.memref_slice %arg4[%dma_start3A_79, %dma_start3A_80] : memref<10000x16xf32, #tpu.memory_space<hbm>> -> memref<10000x16xf32, #tpu.memory_space<hbm>>
        tpu.enqueue_indirect_dma source(%dma_start3A_81 : memref<10000x16xf32, #tpu.memory_space<hbm>>) target(%arg13 : memref<128x16xf32, #tpu.memory_space<vmem>>) offsets(%arg10 : memref<128xi32, #tpu.memory_space<vmem>>) semaphore(%arg20 : memref<!tpu.dma_semaphore, #tpu.memory_space<semaphore_mem>>)
        %dma_wait3A_82 = arith.constant 0 : i32
        %dma_wait3A_83 = arith.constant 0 : i32
        %dma_wait3A_84 = tpu.memref_slice %arg2[%dma_wait3A_82, %dma_wait3A_83] : memref<10000x64xf32, #tpu.memory_space<hbm>> -> memref<10000x64xf32, #tpu.memory_space<hbm>>
        tpu.wait_indirect_dma semaphore(%arg18 : memref<!tpu.dma_semaphore, #tpu.memory_space<semaphore_mem>>) src(%dma_wait3A_84 : memref<10000x64xf32, #tpu.memory_space<hbm>>) dst(%arg11 : memref<128x64xf32, #tpu.memory_space<vmem>>)
        %dma_wait3A_85 = arith.constant 0 : i32
        %dma_wait3A_86 = arith.constant 0 : i32
        %dma_wait3A_87 = tpu.memref_slice %arg3[%dma_wait3A_85, %dma_wait3A_86] : memref<10000x16xf32, #tpu.memory_space<hbm>> -> memref<10000x16xf32, #tpu.memory_space<hbm>>
        tpu.wait_indirect_dma semaphore(%arg19 : memref<!tpu.dma_semaphore, #tpu.memory_space<semaphore_mem>>) src(%dma_wait3A_87 : memref<10000x16xf32, #tpu.memory_space<hbm>>) dst(%arg12 : memref<128x16xf32, #tpu.memory_space<vmem>>)
        %dma_wait3A_88 = arith.constant 0 : i32
        %dma_wait3A_89 = arith.constant 0 : i32
        %dma_wait3A_90 = tpu.memref_slice %arg4[%dma_wait3A_88, %dma_wait3A_89] : memref<10000x16xf32, #tpu.memory_space<hbm>> -> memref<10000x16xf32, #tpu.memory_space<hbm>>
        tpu.wait_indirect_dma semaphore(%arg20 : memref<!tpu.dma_semaphore, #tpu.memory_space<semaphore_mem>>) src(%dma_wait3A_90 : memref<10000x16xf32, #tpu.memory_space<hbm>>) dst(%arg13 : memref<128x16xf32, #tpu.memory_space<vmem>>)
        %scan3A_91 = arith.constant 0 : i32
        %scan3A_92 = arith.constant 0 : i32
        %scan3A_93 = arith.constant 128 : i32
        %scan3A_94 = arith.addi %scan3A_92, %scan3A_93 : i32
        %scan3A_95 = arith.constant 1 : i32
        %scan3A_96 = scf.for %scan3A_98 = %scan3A_92 to %scan3A_94 step %scan3A_95 iter_args(%scan3A_99 = %scan3A_91) -> (i32)  : i32 {
          %get3A = arith.index_cast %scan3A_98 : i32 to index
          %get3A_100 = arith.constant 0 : index
          %get3A_101 = tpu.vector_load %arg12[%get3A, %get3A_100] {strides = array<i32>} : memref<128x16xf32, #tpu.memory_space<vmem>>, vector<16xf32>,
          %get3A_102 = arith.index_cast %scan3A_98 : i32 to index
          %get3A_103 = arith.constant 0 : index
          %get3A_104 = tpu.vector_load %arg13[%get3A_102, %get3A_103] {strides = array<i32>} : memref<128x16xf32, #tpu.memory_space<vmem>>, vector<16xf32>,
          %add3A_105 = arith.addf %get3A_101, %get3A_104 : vector<16xf32>
          %mul3A_106 = arith.constant 2.000000e-01 : f32
          %mul3A_107 = vector.broadcast %mul3A_106 : f32 to vector<16xf32>
          %mul3A_108 = arith.mulf %mul3A_107, %add3A_105 : vector<16xf32>
          %max3A = arith.maximumf %add3A_105, %mul3A_108 : vector<16xf32>
          %exp3A = math.exp %max3A : vector<16xf32>
          %lt3A_109 = arith.constant 0 : i32
          %lt3A_110 = vector.broadcast %lt3A_109 : i32 to vector<16xi32>
          %lt3A_111 = arith.cmpi slt, %rem3A_36, %lt3A_110 : vector<16xi32>
          %add3A_112 = arith.constant 16 : i32
          %add3A_113 = vector.broadcast %add3A_112 : i32 to vector<16xi32>
          %add3A_114 = arith.addi %rem3A_36, %add3A_113 : vector<16xi32>
          %select_n3A_115 = arith.select %lt3A_111, %add3A_114, %rem3A_36 : vector<16xi1>, vector<16xi32>
          %reshape3A = vector.shape_cast %select_n3A_115 : vector<16xi32> to vector<16x1xi32>
          %gather3A = vector.shape_cast %reshape3A : vector<16x1xi32> to vector<16xi32>
          %gather3A_116 = tpu.dynamic_gather %exp3A[%gather3A] in [0] : vector<16xf32>, vector<16xi32> -> vector<16xf32>
          %get3A_117 = arith.index_cast %scan3A_98 : i32 to index
          %get3A_118 = arith.constant 0 : index
          %get3A_119 = tpu.vector_load %arg11[%get3A_117, %get3A_118] {strides = array<i32>} : memref<128x64xf32, #tpu.memory_space<vmem>>, vector<16xf32>,
          %mul3A_120 = arith.mulf %get3A_119, %gather3A_116 : vector<16xf32>
          %swap3A = arith.index_cast %scan3A_98 : i32 to index
          %swap3A_121 = arith.constant 0 : index
          %swap3A_122 = tpu.vector_load %arg14[%swap3A, %swap3A_121] {strides = array<i32>} : memref<128x64xf32, #tpu.memory_space<vmem>>, vector<16xf32>,
          tpu.vector_store %arg14[%swap3A, %swap3A_121], %mul3A_120 {strides = array<i32>} : memref<128x64xf32, #tpu.memory_space<vmem>>, vector<16xf32>,
          %get3A_123 = arith.index_cast %scan3A_98 : i32 to index
          %get3A_124 = arith.constant 16 : index
          %get3A_125 = tpu.vector_load %arg11[%get3A_123, %get3A_124] {strides = array<i32>} : memref<128x64xf32, #tpu.memory_space<vmem>>, vector<16xf32>,
          %mul3A_126 = arith.mulf %get3A_125, %gather3A_116 : vector<16xf32>
          %swap3A_127 = arith.index_cast %scan3A_98 : i32 to index
          %swap3A_128 = arith.constant 16 : index
          %swap3A_129 = tpu.vector_load %arg14[%swap3A_127, %swap3A_128] {strides = array<i32>} : memref<128x64xf32, #tpu.memory_space<vmem>>, vector<16xf32>,
          tpu.vector_store %arg14[%swap3A_127, %swap3A_128], %mul3A_126 {strides = array<i32>} : memref<128x64xf32, #tpu.memory_space<vmem>>, vector<16xf32>,
          %get3A_130 = arith.index_cast %scan3A_98 : i32 to index
          %get3A_131 = arith.constant 32 : index
          %get3A_132 = tpu.vector_load %arg11[%get3A_130, %get3A_131] {strides = array<i32>} : memref<128x64xf32, #tpu.memory_space<vmem>>, vector<16xf32>,
          %mul3A_133 = arith.mulf %get3A_132, %gather3A_116 : vector<16xf32>
          %swap3A_134 = arith.index_cast %scan3A_98 : i32 to index
          %swap3A_135 = arith.constant 32 : index
          %swap3A_136 = tpu.vector_load %arg14[%swap3A_134, %swap3A_135] {strides = array<i32>} : memref<128x64xf32, #tpu.memory_space<vmem>>, vector<16xf32>,
          tpu.vector_store %arg14[%swap3A_134, %swap3A_135], %mul3A_133 {strides = array<i32>} : memref<128x64xf32, #tpu.memory_space<vmem>>, vector<16xf32>,
          %get3A_137 = arith.index_cast %scan3A_98 : i32 to index
          %get3A_138 = arith.constant 48 : index
          %get3A_139 = tpu.vector_load %arg11[%get3A_137, %get3A_138] {strides = array<i32>} : memref<128x64xf32, #tpu.memory_space<vmem>>, vector<16xf32>,
          %mul3A_140 = arith.mulf %get3A_139, %gather3A_116 : vector<16xf32>
          %swap3A_141 = arith.index_cast %scan3A_98 : i32 to index
          %swap3A_142 = arith.constant 48 : index
          %swap3A_143 = tpu.vector_load %arg14[%swap3A_141, %swap3A_142] {strides = array<i32>} : memref<128x64xf32, #tpu.memory_space<vmem>>, vector<16xf32>,
          tpu.vector_store %arg14[%swap3A_141, %swap3A_142], %mul3A_140 {strides = array<i32>} : memref<128x64xf32, #tpu.memory_space<vmem>>, vector<16xf32>,
          %swap3A_144 = arith.index_cast %scan3A_98 : i32 to index
          %swap3A_145 = arith.constant 0 : index
          %swap3A_146 = tpu.vector_load %arg15[%swap3A_144, %swap3A_145] {strides = array<i32>} : memref<128x16xf32, #tpu.memory_space<vmem>>, vector<16xf32>,
          tpu.vector_store %arg15[%swap3A_144, %swap3A_145], %exp3A {strides = array<i32>} : memref<128x16xf32, #tpu.memory_space<vmem>>, vector<16xf32>,
          %scan3A_147 = arith.constant 0 : i32
          scf.yield %scan3A_147 : i32
        }
        %scan3A_97 = arith.constant 128 : i32
        "tpu.region"() ({
          %run_scoped3A = tpu.sem_alloc : memref<!tpu.dma_semaphore, #tpu.memory_space<semaphore_mem>>
          %dma_start3A_98 = arith.constant 0 : i32
          %dma_start3A_99 = arith.constant 0 : i32
          %dma_start3A_100 = tpu.memref_slice %arg16[%dma_start3A_98, %dma_start3A_99] : memref<10240x64xf32, #tpu.memory_space<vmem_shared>> -> memref<10240x64xf32, #tpu.memory_space<vmem_shared>>
          tpu.enqueue_indirect_dma source(%arg14 : memref<128x64xf32, #tpu.memory_space<vmem>>) target(%dma_start3A_100 : memref<10240x64xf32, #tpu.memory_space<vmem_shared>>) offsets(%arg10 : memref<128xi32, #tpu.memory_space<vmem>>) semaphore(%run_scoped3A : memref<!tpu.dma_semaphore, #tpu.memory_space<semaphore_mem>>) {add = true}
          %dma_wait3A_101 = arith.constant 0 : i32
          %dma_wait3A_102 = arith.constant 0 : i32
          %dma_wait3A_103 = tpu.memref_slice %arg16[%dma_wait3A_101, %dma_wait3A_102] : memref<10240x64xf32, #tpu.memory_space<vmem_shared>> -> memref<10240x64xf32, #tpu.memory_space<vmem_shared>>
          tpu.wait_indirect_dma semaphore(%run_scoped3A : memref<!tpu.dma_semaphore, #tpu.memory_space<semaphore_mem>>) src(%arg14 : memref<128x64xf32, #tpu.memory_space<vmem>>) dst(%dma_wait3A_103 : memref<10240x64xf32, #tpu.memory_space<vmem_shared>>)
          tpu.yield
        }) : () -> ()
        "tpu.region"() ({
          %run_scoped3A = tpu.sem_alloc : memref<!tpu.dma_semaphore, #tpu.memory_space<semaphore_mem>>
          %dma_start3A_98 = arith.constant 0 : i32
          %dma_start3A_99 = arith.constant 0 : i32
          %dma_start3A_100 = tpu.memref_slice %arg17[%dma_start3A_98, %dma_start3A_99] : memref<10240x16xf32, #tpu.memory_space<vmem_shared>> -> memref<10240x16xf32, #tpu.memory_space<vmem_shared>>
          tpu.enqueue_indirect_dma source(%arg15 : memref<128x16xf32, #tpu.memory_space<vmem>>) target(%dma_start3A_100 : memref<10240x16xf32, #tpu.memory_space<vmem_shared>>) offsets(%arg10 : memref<128xi32, #tpu.memory_space<vmem>>) semaphore(%run_scoped3A : memref<!tpu.dma_semaphore, #tpu.memory_space<semaphore_mem>>) {add = true}
          %dma_wait3A_101 = arith.constant 0 : i32
          %dma_wait3A_102 = arith.constant 0 : i32
          %dma_wait3A_103 = tpu.memref_slice %arg17[%dma_wait3A_101, %dma_wait3A_102] : memref<10240x16xf32, #tpu.memory_space<vmem_shared>> -> memref<10240x16xf32, #tpu.memory_space<vmem_shared>>
          tpu.wait_indirect_dma semaphore(%run_scoped3A : memref<!tpu.dma_semaphore, #tpu.memory_space<semaphore_mem>>) src(%arg15 : memref<128x16xf32, #tpu.memory_space<vmem>>) dst(%dma_wait3A_103 : memref<10240x16xf32, #tpu.memory_space<vmem_shared>>)
          tpu.yield
        }) : () -> ()
      } else {
      }
      %scan3A_49 = arith.constant 0 : i32
      scf.yield %scan3A_49 : i32
    }
    %scan3A_43 = arith.constant 79 : i32
    %barrier3A_44 = arith.constant 0 : index
    tpu.barrier barrier_id(%barrier3A_44)
    "tpu.region"() ({
      %run_scoped3A = tpu.sem_alloc : memref<!tpu.dma_semaphore, #tpu.memory_space<semaphore_mem>>
      %dma_start3A = arith.constant 0 : i32
      %dma_start3A_45 = arith.constant 0 : i32
      %dma_start3A_46 = tpu.memref_slice %arg7[%arg0, %dma_start3A, %dma_start3A_45] : memref<2x10240x64xf32, #tpu.memory_space<hbm>> -> memref<1x10240x64xf32, #tpu.memory_space<hbm>>
      %dma_start3A_47 = tpu.memref_squeeze %dma_start3A_46 : memref<1x10240x64xf32, #tpu.memory_space<hbm>> -> memref<10240x64xf32, #tpu.memory_space<hbm>>
      %dma_start3A_48 = arith.constant 0 : i32
      %dma_start3A_49 = tpu.memref_slice %dma_start3A_47[%mul3A_6, %dma_start3A_48] : memref<10240x64xf32, #tpu.memory_space<hbm>> -> memref<640x64xf32, #tpu.memory_space<hbm>>
      %dma_start3A_50 = arith.constant 0 : i32
      %dma_start3A_51 = tpu.memref_slice %arg16[%mul3A_6, %dma_start3A_50] : memref<10240x64xf32, #tpu.memory_space<vmem_shared>> -> memref<640x64xf32, #tpu.memory_space<vmem_shared>>
      tpu.enqueue_dma source(%dma_start3A_51 : memref<640x64xf32, #tpu.memory_space<vmem_shared>>) target(%dma_start3A_49 : memref<640x64xf32, #tpu.memory_space<hbm>>) target_semaphore(%run_scoped3A : memref<!tpu.dma_semaphore, #tpu.memory_space<semaphore_mem>>)
      %dma_wait3A = arith.constant 0 : i32
      %dma_wait3A_52 = arith.constant 0 : i32
      %dma_wait3A_53 = tpu.memref_slice %arg7[%arg0, %dma_wait3A, %dma_wait3A_52] : memref<2x10240x64xf32, #tpu.memory_space<hbm>> -> memref<1x10240x64xf32, #tpu.memory_space<hbm>>
      %dma_wait3A_54 = tpu.memref_squeeze %dma_wait3A_53 : memref<1x10240x64xf32, #tpu.memory_space<hbm>> -> memref<10240x64xf32, #tpu.memory_space<hbm>>
      %dma_wait3A_55 = arith.constant 0 : i32
      %dma_wait3A_56 = tpu.memref_slice %dma_wait3A_54[%mul3A_6, %dma_wait3A_55] : memref<10240x64xf32, #tpu.memory_space<hbm>> -> memref<640x64xf32, #tpu.memory_space<hbm>>
      %dma_wait3A_57 = arith.constant 0 : i32
      %dma_wait3A_58 = tpu.memref_slice %arg16[%mul3A_6, %dma_wait3A_57] : memref<10240x64xf32, #tpu.memory_space<vmem_shared>> -> memref<640x64xf32, #tpu.memory_space<vmem_shared>>
      tpu.wait_dma2 semaphore(%run_scoped3A : memref<!tpu.dma_semaphore, #tpu.memory_space<semaphore_mem>>) src(%dma_wait3A_58 : memref<640x64xf32, #tpu.memory_space<vmem_shared>>) dst(%dma_wait3A_56 : memref<640x64xf32, #tpu.memory_space<hbm>>)
      tpu.yield
    }) : () -> ()
    "tpu.region"() ({
      %run_scoped3A = tpu.sem_alloc : memref<!tpu.dma_semaphore, #tpu.memory_space<semaphore_mem>>
      %dma_start3A = arith.constant 0 : i32
      %dma_start3A_45 = arith.constant 0 : i32
      %dma_start3A_46 = tpu.memref_slice %arg8[%arg0, %dma_start3A, %dma_start3A_45] : memref<2x10240x16xf32, #tpu.memory_space<hbm>> -> memref<1x10240x16xf32, #tpu.memory_space<hbm>>
      %dma_start3A_47 = tpu.memref_squeeze %dma_start3A_46 : memref<1x10240x16xf32, #tpu.memory_space<hbm>> -> memref<10240x16xf32, #tpu.memory_space<hbm>>
      %dma_start3A_48 = arith.constant 0 : i32
      %dma_start3A_49 = tpu.memref_slice %dma_start3A_47[%mul3A_6, %dma_start3A_48] : memref<10240x16xf32, #tpu.memory_space<hbm>> -> memref<640x16xf32, #tpu.memory_space<hbm>>
      %dma_start3A_50 = arith.constant 0 : i32
      %dma_start3A_51 = tpu.memref_slice %arg17[%mul3A_6, %dma_start3A_50] : memref<10240x16xf32, #tpu.memory_space<vmem_shared>> -> memref<640x16xf32, #tpu.memory_space<vmem_shared>>
      tpu.enqueue_dma source(%dma_start3A_51 : memref<640x16xf32, #tpu.memory_space<vmem_shared>>) target(%dma_start3A_49 : memref<640x16xf32, #tpu.memory_space<hbm>>) target_semaphore(%run_scoped3A : memref<!tpu.dma_semaphore, #tpu.memory_space<semaphore_mem>>)
      %dma_wait3A = arith.constant 0 : i32
      %dma_wait3A_52 = arith.constant 0 : i32
      %dma_wait3A_53 = tpu.memref_slice %arg8[%arg0, %dma_wait3A, %dma_wait3A_52] : memref<2x10240x16xf32, #tpu.memory_space<hbm>> -> memref<1x10240x16xf32, #tpu.memory_space<hbm>>
      %dma_wait3A_54 = tpu.memref_squeeze %dma_wait3A_53 : memref<1x10240x16xf32, #tpu.memory_space<hbm>> -> memref<10240x16xf32, #tpu.memory_space<hbm>>
      %dma_wait3A_55 = arith.constant 0 : i32
      %dma_wait3A_56 = tpu.memref_slice %dma_wait3A_54[%mul3A_6, %dma_wait3A_55] : memref<10240x16xf32, #tpu.memory_space<hbm>> -> memref<640x16xf32, #tpu.memory_space<hbm>>
      %dma_wait3A_57 = arith.constant 0 : i32
      %dma_wait3A_58 = tpu.memref_slice %arg17[%mul3A_6, %dma_wait3A_57] : memref<10240x16xf32, #tpu.memory_space<vmem_shared>> -> memref<640x16xf32, #tpu.memory_space<vmem_shared>>
      tpu.wait_dma2 semaphore(%run_scoped3A : memref<!tpu.dma_semaphore, #tpu.memory_space<semaphore_mem>>) src(%dma_wait3A_58 : memref<640x16xf32, #tpu.memory_space<vmem_shared>>) dst(%dma_wait3A_56 : memref<640x16xf32, #tpu.memory_space<hbm>>)
      tpu.yield
    }) : () -> ()
    return
  }
}

module attributes {stable_mosaic.version = 14 : i64} {
  func.func @_stage1_body(%arg0: i32, %arg1: memref<1000x128xf32, #tpu.memory_space<vmem>>, %arg2: memref<128x64xf32, #tpu.memory_space<vmem>>, %arg3: memref<128x16xf32, #tpu.memory_space<vmem>>, %arg4: memref<128x16xf32, #tpu.memory_space<vmem>>, %arg5: memref<1000x64xf32, #tpu.memory_space<vmem>>, %arg6: memref<1000x16xf32, #tpu.memory_space<vmem>>, %arg7: memref<1000x16xf32, #tpu.memory_space<vmem>>) attributes {dimension_semantics = [#tpu.dimension_semantics<arbitrary>], iteration_bounds = array<i64: 10>, scalar_prefetch = 0 : i64, scratch_operands = 0 : i64, tpu.core_type = #tpu.core_type<tc>, window_params = [{transform_indices = @transform_0, window_bounds = array<i64: 1000, 128>}, {pipeline_mode = #tpu.pipeline_mode<synchronous>, transform_indices = @transform_1, window_bounds = array<i64: 128, 64>}, {pipeline_mode = #tpu.pipeline_mode<synchronous>, transform_indices = @transform_2, window_bounds = array<i64: 128, 16>}, {pipeline_mode = #tpu.pipeline_mode<synchronous>, transform_indices = @transform_3, window_bounds = array<i64: 128, 16>}, {transform_indices = @transform_4, window_bounds = array<i64: 1000, 64>}, {transform_indices = @transform_5, window_bounds = array<i64: 1000, 16>}, {transform_indices = @transform_6, window_bounds = array<i64: 1000, 16>}]} {
    %get3A = arith.constant 0 : index
    %get3A_0 = arith.constant 0 : index
    %get3A_1 = vector.load %arg1[%get3A, %get3A_0] : memref<1000x128xf32, #tpu.memory_space<vmem>>, vector<1000x128xf32>
    %get3A_2 = arith.constant 0 : index
    %get3A_3 = arith.constant 0 : index
    %get3A_4 = vector.load %arg2[%get3A_2, %get3A_3] : memref<128x64xf32, #tpu.memory_space<vmem>>, vector<128x64xf32>
    %dot_general3A = arith.constant dense<0.000000e+00> : vector<1000x64xf32>
    %dot_general3A_5 = tpu.matmul %get3A_1, %get3A_4, %dot_general3A {dimension_numbers = #tpu.dot_dimension_numbers<[1], [0], [0], [1], [0, 0, 1, 1], [], []>, transpose_lhs_hint = false} : vector<1000x128xf32>, vector<128x64xf32>, vector<1000x64xf32> -> vector<1000x64xf32>
    %swap3A = arith.constant 0 : index
    %swap3A_6 = arith.constant 0 : index
    %swap3A_7 = vector.load %arg5[%swap3A, %swap3A_6] : memref<1000x64xf32, #tpu.memory_space<vmem>>, vector<1000x64xf32>
    tpu.vector_store %arg5[%swap3A, %swap3A_6], %dot_general3A_5 {strides = array<i32>} : memref<1000x64xf32, #tpu.memory_space<vmem>>, vector<1000x64xf32>,
    %get3A_8 = arith.constant 0 : index
    %get3A_9 = arith.constant 0 : index
    %get3A_10 = vector.load %arg3[%get3A_8, %get3A_9] : memref<128x16xf32, #tpu.memory_space<vmem>>, vector<128x16xf32>
    %dot_general3A_11 = arith.constant dense<0.000000e+00> : vector<1000x16xf32>
    %dot_general3A_12 = tpu.matmul %get3A_1, %get3A_10, %dot_general3A_11 {dimension_numbers = #tpu.dot_dimension_numbers<[1], [0], [0], [1], [0, 0, 1, 1], [], []>, transpose_lhs_hint = false} : vector<1000x128xf32>, vector<128x16xf32>, vector<1000x16xf32> -> vector<1000x16xf32>
    %swap3A_13 = arith.constant 0 : index
    %swap3A_14 = arith.constant 0 : index
    %swap3A_15 = vector.load %arg6[%swap3A_13, %swap3A_14] : memref<1000x16xf32, #tpu.memory_space<vmem>>, vector<1000x16xf32>
    tpu.vector_store %arg6[%swap3A_13, %swap3A_14], %dot_general3A_12 {strides = array<i32>} : memref<1000x16xf32, #tpu.memory_space<vmem>>, vector<1000x16xf32>,
    %get3A_16 = arith.constant 0 : index
    %get3A_17 = arith.constant 0 : index
    %get3A_18 = vector.load %arg4[%get3A_16, %get3A_17] : memref<128x16xf32, #tpu.memory_space<vmem>>, vector<128x16xf32>
    %dot_general3A_19 = arith.constant dense<0.000000e+00> : vector<1000x16xf32>
    %dot_general3A_20 = tpu.matmul %get3A_1, %get3A_18, %dot_general3A_19 {dimension_numbers = #tpu.dot_dimension_numbers<[1], [0], [0], [1], [0, 0, 1, 1], [], []>, transpose_lhs_hint = false} : vector<1000x128xf32>, vector<128x16xf32>, vector<1000x16xf32> -> vector<1000x16xf32>
    %swap3A_21 = arith.constant 0 : index
    %swap3A_22 = arith.constant 0 : index
    %swap3A_23 = vector.load %arg7[%swap3A_21, %swap3A_22] : memref<1000x16xf32, #tpu.memory_space<vmem>>, vector<1000x16xf32>
    tpu.vector_store %arg7[%swap3A_21, %swap3A_22], %dot_general3A_20 {strides = array<i32>} : memref<1000x16xf32, #tpu.memory_space<vmem>>, vector<1000x16xf32>,
    return
  }
  func.func @transform_0(%arg0: i32) -> (i32, i32) {
    %c0_i32 = arith.constant 0 : i32
    %c0_i32_0 = arith.constant 0 : i32
    return %arg0, %c0_i32 : i32, i32
  }
  func.func @transform_1(%arg0: i32) -> (i32, i32) {
    %c0_i32 = arith.constant 0 : i32
    %c0_i32_0 = arith.constant 0 : i32
    %c0_i32_1 = arith.constant 0 : i32
    return %c0_i32, %c0_i32_0 : i32, i32
  }
  func.func @transform_2(%arg0: i32) -> (i32, i32) {
    %c0_i32 = arith.constant 0 : i32
    %c0_i32_0 = arith.constant 0 : i32
    %c0_i32_1 = arith.constant 0 : i32
    return %c0_i32, %c0_i32_0 : i32, i32
  }
  func.func @transform_3(%arg0: i32) -> (i32, i32) {
    %c0_i32 = arith.constant 0 : i32
    %c0_i32_0 = arith.constant 0 : i32
    %c0_i32_1 = arith.constant 0 : i32
    return %c0_i32, %c0_i32_0 : i32, i32
  }
  func.func @transform_4(%arg0: i32) -> (i32, i32) {
    %c0_i32 = arith.constant 0 : i32
    %c0_i32_0 = arith.constant 0 : i32
    return %arg0, %c0_i32 : i32, i32
  }
  func.func @transform_5(%arg0: i32) -> (i32, i32) {
    %c0_i32 = arith.constant 0 : i32
    %c0_i32_0 = arith.constant 0 : i32
    return %arg0, %c0_i32 : i32, i32
  }
  func.func @transform_6(%arg0: i32) -> (i32, i32) {
    %c0_i32 = arith.constant 0 : i32
    %c0_i32_0 = arith.constant 0 : i32
    return %arg0, %c0_i32 : i32, i32
  }
}

module attributes {stable_mosaic.version = 14 : i64} {
  func.func @_stage3_body(%arg0: i32, %arg1: memref<2x640x64xf32, #tpu.memory_space<vmem>>, %arg2: memref<2x640x16xf32, #tpu.memory_space<vmem>>, %arg3: memref<1x64xf32, #tpu.memory_space<vmem>>, %arg4: memref<64x4xf32, #tpu.memory_space<vmem>>, %arg5: memref<640x4xf32, #tpu.memory_space<vmem>>) attributes {dimension_semantics = [#tpu.dimension_semantics<arbitrary>], iteration_bounds = array<i64: 16>, scalar_prefetch = 0 : i64, scratch_operands = 0 : i64, tpu.core_type = #tpu.core_type<tc>, window_params = [{transform_indices = @transform_0, window_bounds = array<i64: 2, 640, 64>}, {transform_indices = @transform_1, window_bounds = array<i64: 2, 640, 16>}, {pipeline_mode = #tpu.pipeline_mode<synchronous>, transform_indices = @transform_2, window_bounds = array<i64: 1, 64>}, {pipeline_mode = #tpu.pipeline_mode<synchronous>, transform_indices = @transform_3, window_bounds = array<i64: 64, 4>}, {transform_indices = @transform_4, window_bounds = array<i64: 640, 4>}]} {
    %get3A = arith.constant 0 : index
    %get3A_0 = arith.constant 0 : index
    %get3A_1 = arith.constant 0 : index
    %get3A_2 = vector.load %arg1[%get3A, %get3A_0, %get3A_1] : memref<2x640x64xf32, #tpu.memory_space<vmem>>, vector<1x640x64xf32>
    %get3A_3 = vector.shape_cast %get3A_2 : vector<1x640x64xf32> to vector<640x64xf32>
    %get3A_4 = arith.constant 1 : index
    %get3A_5 = arith.constant 0 : index
    %get3A_6 = arith.constant 0 : index
    %get3A_7 = vector.load %arg1[%get3A_4, %get3A_5, %get3A_6] : memref<2x640x64xf32, #tpu.memory_space<vmem>>, vector<1x640x64xf32>
    %get3A_8 = vector.shape_cast %get3A_7 : vector<1x640x64xf32> to vector<640x64xf32>
    %add3A = arith.addf %get3A_3, %get3A_8 : vector<640x64xf32>
    %get3A_9 = arith.constant 0 : index
    %get3A_10 = arith.constant 0 : index
    %get3A_11 = arith.constant 0 : index
    %get3A_12 = vector.load %arg2[%get3A_9, %get3A_10, %get3A_11] : memref<2x640x16xf32, #tpu.memory_space<vmem>>, vector<1x640x16xf32>
    %get3A_13 = vector.shape_cast %get3A_12 : vector<1x640x16xf32> to vector<640x16xf32>
    %get3A_14 = arith.constant 1 : index
    %get3A_15 = arith.constant 0 : index
    %get3A_16 = arith.constant 0 : index
    %get3A_17 = vector.load %arg2[%get3A_14, %get3A_15, %get3A_16] : memref<2x640x16xf32, #tpu.memory_space<vmem>>, vector<1x640x16xf32>
    %get3A_18 = vector.shape_cast %get3A_17 : vector<1x640x16xf32> to vector<640x16xf32>
    %add3A_19 = arith.addf %get3A_13, %get3A_18 : vector<640x16xf32>
    %slice3A = vector.extract_strided_slice %add3A_19 {offsets = [0, 0], sizes = [640, 8], strides = [1, 1]} : vector<640x16xf32> to vector<640x8xf32>
    %add3A_20 = arith.constant 1.000000e-16 : f32
    %add3A_21 = vector.broadcast %add3A_20 : f32 to vector<640x8xf32>
    %add3A_22 = arith.addf %slice3A, %add3A_21 : vector<640x8xf32>
    %concatenate3A = tpu.concatenate %add3A_22, %add3A_22, %add3A_22, %add3A_22, %add3A_22, %add3A_22, %add3A_22, %add3A_22 in 1 : vector<640x8xf32>, vector<640x8xf32>, vector<640x8xf32>, vector<640x8xf32>, vector<640x8xf32>, vector<640x8xf32>, vector<640x8xf32>, vector<640x8xf32> -> vector<640x64xf32>
    %div3A = arith.divf %add3A, %concatenate3A : vector<640x64xf32>
    %get3A_23 = arith.constant 0 : index
    %get3A_24 = arith.constant 0 : index
    %get3A_25 = vector.load %arg3[%get3A_23, %get3A_24] : memref<1x64xf32, #tpu.memory_space<vmem>>, vector<1x64xf32>
    %add3A_26 = vector.broadcast %get3A_25 : vector<1x64xf32> to vector<640x64xf32>
    %add3A_27 = arith.addf %div3A, %add3A_26 : vector<640x64xf32>
    %gt3A = arith.constant 0.000000e+00 : f32
    %gt3A_28 = vector.broadcast %gt3A : f32 to vector<640x64xf32>
    %gt3A_29 = arith.cmpf ogt, %add3A_27, %gt3A_28 : vector<640x64xf32>
    %exp3A = math.exp %add3A_27 : vector<640x64xf32>
    %sub3A = arith.constant 1.000000e+00 : f32
    %sub3A_30 = vector.broadcast %sub3A : f32 to vector<640x64xf32>
    %sub3A_31 = arith.subf %exp3A, %sub3A_30 : vector<640x64xf32>
    %select_n3A = arith.select %gt3A_29, %add3A_27, %sub3A_31 : vector<640x64xi1>, vector<640x64xf32>
    %get3A_32 = arith.constant 0 : index
    %get3A_33 = arith.constant 0 : index
    %get3A_34 = vector.load %arg4[%get3A_32, %get3A_33] : memref<64x4xf32, #tpu.memory_space<vmem>>, vector<64x4xf32>
    %dot_general3A = arith.constant dense<0.000000e+00> : vector<640x4xf32>
    %dot_general3A_35 = tpu.matmul %select_n3A, %get3A_34, %dot_general3A {dimension_numbers = #tpu.dot_dimension_numbers<[1], [0], [0], [1], [0, 0, 1, 1], [], []>, transpose_lhs_hint = false} : vector<640x64xf32>, vector<64x4xf32>, vector<640x4xf32> -> vector<640x4xf32>
    %swap3A = arith.constant 0 : index
    %swap3A_36 = arith.constant 0 : index
    %swap3A_37 = vector.load %arg5[%swap3A, %swap3A_36] : memref<640x4xf32, #tpu.memory_space<vmem>>, vector<640x4xf32>
    tpu.vector_store %arg5[%swap3A, %swap3A_36], %dot_general3A_35 {strides = array<i32>} : memref<640x4xf32, #tpu.memory_space<vmem>>, vector<640x4xf32>,
    return
  }
  func.func @transform_0(%arg0: i32) -> (i32, i32, i32) {
    %c0_i32 = arith.constant 0 : i32
    %c0_i32_0 = arith.constant 0 : i32
    %c0_i32_1 = arith.constant 0 : i32
    return %c0_i32, %arg0, %c0_i32_0 : i32, i32, i32
  }
  func.func @transform_1(%arg0: i32) -> (i32, i32, i32) {
    %c0_i32 = arith.constant 0 : i32
    %c0_i32_0 = arith.constant 0 : i32
    %c0_i32_1 = arith.constant 0 : i32
    return %c0_i32, %arg0, %c0_i32_0 : i32, i32, i32
  }
  func.func @transform_2(%arg0: i32) -> (i32, i32) {
    %c0_i32 = arith.constant 0 : i32
    %c0_i32_0 = arith.constant 0 : i32
    %c0_i32_1 = arith.constant 0 : i32
    return %c0_i32, %c0_i32_0 : i32, i32
  }
  func.func @transform_3(%arg0: i32) -> (i32, i32) {
    %c0_i32 = arith.constant 0 : i32
    %c0_i32_0 = arith.constant 0 : i32
    %c0_i32_1 = arith.constant 0 : i32
    return %c0_i32, %c0_i32_0 : i32, i32
  }
  func.func @transform_4(%arg0: i32) -> (i32, i32) {
    %c0_i32 = arith.constant 0 : i32
    %c0_i32_0 = arith.constant 0 : i32
    return %arg0, %c0_i32 : i32, i32
  }
}

module attributes {stable_mosaic.version = 14 : i64} {
  func.func @_stage5_body(%arg0: i32, %arg1: memref<2x640x16xf32, #tpu.memory_space<vmem>>, %arg2: memref<1x2xf32, #tpu.memory_space<vmem>>, %arg3: memref<640x2xf32, #tpu.memory_space<vmem>>) attributes {dimension_semantics = [#tpu.dimension_semantics<arbitrary>], iteration_bounds = array<i64: 16>, scalar_prefetch = 0 : i64, scratch_operands = 0 : i64, tpu.core_type = #tpu.core_type<tc>, window_params = [{transform_indices = @transform_0, window_bounds = array<i64: 2, 640, 16>}, {pipeline_mode = #tpu.pipeline_mode<synchronous>, transform_indices = @transform_1, window_bounds = array<i64: 1, 2>}, {transform_indices = @transform_2, window_bounds = array<i64: 640, 2>}]} {
    %get3A = arith.constant 0 : index
    %get3A_0 = arith.constant 0 : index
    %get3A_1 = arith.constant 0 : index
    %get3A_2 = vector.load %arg1[%get3A, %get3A_0, %get3A_1] : memref<2x640x16xf32, #tpu.memory_space<vmem>>, vector<1x640x16xf32>
    %get3A_3 = vector.shape_cast %get3A_2 : vector<1x640x16xf32> to vector<640x16xf32>
    %get3A_4 = arith.constant 1 : index
    %get3A_5 = arith.constant 0 : index
    %get3A_6 = arith.constant 0 : index
    %get3A_7 = vector.load %arg1[%get3A_4, %get3A_5, %get3A_6] : memref<2x640x16xf32, #tpu.memory_space<vmem>>, vector<1x640x16xf32>
    %get3A_8 = vector.shape_cast %get3A_7 : vector<1x640x16xf32> to vector<640x16xf32>
    %add3A = arith.addf %get3A_3, %get3A_8 : vector<640x16xf32>
    %slice3A = vector.extract_strided_slice %add3A {offsets = [0, 2], sizes = [640, 1], strides = [1, 1]} : vector<640x16xf32> to vector<640x1xf32>
    %add3A_9 = arith.constant 1.000000e-16 : f32
    %add3A_10 = vector.broadcast %add3A_9 : f32 to vector<640x1xf32>
    %add3A_11 = arith.addf %slice3A, %add3A_10 : vector<640x1xf32>
    %slice3A_12 = vector.extract_strided_slice %add3A {offsets = [0, 0], sizes = [640, 2], strides = [1, 1]} : vector<640x16xf32> to vector<640x2xf32>
    %div3A = vector.broadcast %add3A_11 : vector<640x1xf32> to vector<640x2xf32>
    %div3A_13 = arith.divf %slice3A_12, %div3A : vector<640x2xf32>
    %get3A_14 = arith.constant 0 : index
    %get3A_15 = arith.constant 0 : index
    %get3A_16 = vector.load %arg2[%get3A_14, %get3A_15] : memref<1x2xf32, #tpu.memory_space<vmem>>, vector<1x2xf32>
    %add3A_17 = vector.broadcast %get3A_16 : vector<1x2xf32> to vector<640x2xf32>
    %add3A_18 = arith.addf %div3A_13, %add3A_17 : vector<640x2xf32>
    %reduce_max3A = arith.constant dense<0xFF800000> : vector<640xf32>
    %reduce_max3A_19 = vector.multi_reduction <maximumf>, %add3A_18, %reduce_max3A [1] : vector<640x2xf32> to vector<640xf32>
    %broadcast_in_dim3A = vector.shape_cast %reduce_max3A_19 : vector<640xf32> to vector<640x1xf32>
    %sub3A = vector.broadcast %broadcast_in_dim3A : vector<640x1xf32> to vector<640x2xf32>
    %sub3A_20 = arith.subf %add3A_18, %sub3A : vector<640x2xf32>
    %exp3A = math.exp %sub3A_20 : vector<640x2xf32>
    %reduce_sum3A = arith.constant dense<0.000000e+00> : vector<640xf32>
    %reduce_sum3A_21 = vector.multi_reduction <add>, %exp3A, %reduce_sum3A [1] : vector<640x2xf32> to vector<640xf32>
    %broadcast_in_dim3A_22 = vector.shape_cast %reduce_sum3A_21 : vector<640xf32> to vector<640x1xf32>
    %log3A = math.log %broadcast_in_dim3A_22 : vector<640x1xf32>
    %sub3A_23 = vector.broadcast %log3A : vector<640x1xf32> to vector<640x2xf32>
    %sub3A_24 = arith.subf %sub3A_20, %sub3A_23 : vector<640x2xf32>
    %swap3A = arith.constant 0 : index
    %swap3A_25 = arith.constant 0 : index
    %swap3A_26 = vector.load %arg3[%swap3A, %swap3A_25] : memref<640x2xf32, #tpu.memory_space<vmem>>, vector<640x2xf32>
    tpu.vector_store %arg3[%swap3A, %swap3A_25], %sub3A_24 {strides = array<i32>} : memref<640x2xf32, #tpu.memory_space<vmem>>, vector<640x2xf32>,
    return
  }
  func.func @transform_0(%arg0: i32) -> (i32, i32, i32) {
    %c0_i32 = arith.constant 0 : i32
    %c0_i32_0 = arith.constant 0 : i32
    %c0_i32_1 = arith.constant 0 : i32
    return %c0_i32, %arg0, %c0_i32_0 : i32, i32, i32
  }
  func.func @transform_1(%arg0: i32) -> (i32, i32) {
    %c0_i32 = arith.constant 0 : i32
    %c0_i32_0 = arith.constant 0 : i32
    %c0_i32_1 = arith.constant 0 : i32
    return %c0_i32, %c0_i32_0 : i32, i32
  }
  func.func @transform_2(%arg0: i32) -> (i32, i32) {
    %c0_i32 = arith.constant 0 : i32
    %c0_i32_0 = arith.constant 0 : i32
    return %arg0, %c0_i32 : i32, i32
  }
}

</mosaic_0001>

<sc_bundles>
// kernel: kernel.10.cloned.1.call-start
scs
__scs_entry_jumppad:
0x0: {  	(pc) =	sbr.rel $0x88, $3  }
0x1: {  	(tag) =	ssettag $0x0;
	lr =	simm.s32 $0x1  }
0x2: {  	[smem:$0x3F97] =	sst lr;
	_ =	strace $0xD0000000  }
0x3: {  	_ = 	snop  }
0x4: {  	_ = 	snop  }
0x5: {  	_ = 	snop  }
0x6: {  	_ = 	snop  }
0x7: {  	_ = 	snop  }
__scs_overlays_trampoline_lowered:
0x8: {  	[smem:$0x3FA6] =	sst s0  }
0x9: {  	[smem:$0x3FA7] =	sst s1  }
0xa: {  	[smem:$0x3FA8] =	sst s2  }
0xb: {  	[smem:$0x3FA9] =	sst s3  }
0xc: {  	[smem:$0x3FAA] =	sst s4  }
0xd: {  	[smem:$0x3FAB] =	sst s5  }
0xe: {  	[smem:$0x3FAC] =	sst s6  }
0xf: {  	[smem:$0x3FAD] =	sst s7  }
0x10: {  	[smem:$0x3FAE] =	sst s8  }
0x11: {  	[smem:$0x3FAF] =	sst s9;
	s0 =	simm.s32 @!p0 $0x0  }
0x12: {  	s1 =	sld [smem:$0x3F95];
	s0 =	simm.s32 @p0 $0x1  }
0x13: {  	[smem:$0x3FB0] =	sst s0;
	s0 =	simm.s32 @!p1 $0x0  }
0x14: {  	s2 =	sld [smem:$0x3F94];
	s0 =	simm.s32 @p1 $0x1  }
0x15: {  	[smem:$0x3FB1] =	sst s0;
	s0 =	simm.s32 @!p2 $0x0  }
0x16: {  	s3 =	sld [smem:$0x3FDB];
	s0 =	simm.s32 @p2 $0x1  }
0x17: {  	s4 =	simm.s32 $0x1BF5;
	[smem:$0x3FB3] =	sst s0  }
0x18: {  	s0 =	sld [smem:$0x3F96];
	_ =	swait.ge [sflag:s4], $0x0  }
0x19: {  	s7 =	sld [smem:$0x3F97]  }
0x1a: {  	s8 =	sadd.s32 $0xFFFFE003, lr  }
0x1b: {  	s9 =	sadd.s32 $0xFFFFFEF7, lr;
	s5 =	simm.s32 $0xFFFFFFFF;
	p2 =	slt.u32 s8, $0xFFFFF086  }
0x1c: {  	p1 =	slt.u32 s9, $0xF7A;
	s5 =	simm.s32 @!p2 $0x0  }
0x1d: {  	s5 =	simm.s32 @p1 $0x1;
	p0 =	seq.s32 s7, s2  }
0x1e: {  	s7 =	smul.u32 @!p0 $0xF7A, s2;
	p2 =	seq.s32 @!p0 s5, $0x0  }
0x1f: {  	s9 =	smul.u32 $0xF7A, s1;
	s8 =	simm.s32 @!p0 $0x1BF5;
	p2 =	por !p2, p0  }
0x20: {  	[sflag:s8] =	ssyncset.s32 @!p0 $0xFFFFF086;
	s6 =	sadd.s32 @!p0 s3, s7;
	s7 =	simm.s32 @!p0 $0x108  }
0x21: {  	s3 =	sadd.s32 s3, s9;
	s6 =	sadd.s32 @!p0 $0x88, s6;
	s7 =	simm.s32 @p2 $0x1082  }
0x22: {  	[simem:s7], [sflag:s8] =	dma.local @!p0 [hbm:s6], $0xF7A  }
0x23: {  	s9 =	sor.u32 $0xD0000000, s2;
	s6 =	simm.s32 $0x108;
	_ =	swait.ge @!p0 [sflag:s8], $0x0  }
0x24: {  	s3 =	sadd.s32 $0x88, s3;
	s6 =	simm.s32 @!p1 $0x1082;
	[sflag:s4] =	ssyncset.s32 $0xFFFFF086  }
0x25: {  	[simem:s6], [sflag:s4] =	dma.local [hbm:s3], $0xF7A  }
0x26: {  	[smem:$0x3F97] =	sst s1;
	(tag) =	ssettag s2;
	_ =	strace s9  }
0x27: {  	s1 =	sld [smem:$0x3FA7]  }
0x28: {  	s2 =	sld [smem:$0x3FA8]  }
0x29: {  	s4 =	sld [smem:$0x3FAA]  }
0x2a: {  	p0 =	seq.s32 s5, $0x0;
	s5 =	sld [smem:$0x3FAB]  }
0x2b: {  	s6 =	sld [smem:$0x3FAC]  }
0x2c: {  	s7 =	sld [smem:$0x3FAD]  }
0x2d: {  	s3 =	simm.s32 $0x108;
	s8 =	sld [smem:$0x3FAE]  }
0x2e: {  	s3 =	simm.s32 @!p0 $0x1082;
	s9 =	sld [smem:$0x3FAF]  }
0x2f: {  	lr =	sadd.s32 s0, s3;
	s0 =	sld [smem:$0x3FA6]  }
0x30: {  	s3 =	sld [smem:$0x3FA9]  }
0x31: {  	[smem:$0x3FB2] =	sst s10  }
0x32: {  	s10 =	sld [smem:$0x3FB0];
	_ =	sdelay $0x3  }
0x33: {  	p0 =	seq.s32 s10, $0x1;
	s10 =	sld [smem:$0x3FB2];
	_ =	sdelay $0x3  }
0x34: {  	[smem:$0x3FB2] =	sst s10  }
0x35: {  	s10 =	sld [smem:$0x3FB1];
	_ =	sdelay $0x3  }
0x36: {  	p1 =	seq.s32 s10, $0x1;
	s10 =	sld [smem:$0x3FB2];
	_ =	sdelay $0x3  }
0x37: {  	[smem:$0x3FB2] =	sst s10  }
0x38: {  	s10 =	sld [smem:$0x3FB3]  }
0x39: {  	_ = 	snop;
	(pc) =	sbr.ind lr, $3  }
0x3a: {  	_ = 	snop  }
0x3b: {  	_ = 	snop  }
0x3c: {  	p2 =	seq.s32 s10, $0x1;
	s10 =	sld [smem:$0x3FB2]  }
0x3d: {  	_ =	shalt  }
0x3e: {  	_ =	shalt  }
0x3f: {  	_ =	shalt  }
0x40: {  	_ =	shalt  }
0x41: {  	_ =	shalt  }
0x42: {  	_ =	shalt  }
0x43: {  	_ =	shalt  }
0x44: {  	_ =	shalt  }
0x45: {  	_ =	shalt  }
0x46: {  	_ =	shalt  }
0x47: {  	_ =	shalt  }
0x48: {  	_ =	shalt  }
0x49: {  	_ =	shalt  }
0x4a: {  	_ =	shalt  }
0x4b: {  	_ =	shalt  }
0x4c: {  	_ =	shalt  }
0x4d: {  	_ =	shalt  }
0x4e: {  	_ =	shalt  }
0x4f: {  	_ =	shalt  }
0x50: {  	_ =	shalt  }
0x51: {  	_ =	shalt  }
0x52: {  	_ =	shalt  }
0x53: {  	_ =	shalt  }
0x54: {  	_ =	shalt  }
0x55: {  	_ =	shalt  }
0x56: {  	_ =	shalt  }
0x57: {  	_ =	shalt  }
0x58: {  	_ =	shalt  }
0x59: {  	_ =	shalt  }
0x5a: {  	_ =	shalt  }
0x5b: {  	_ =	shalt  }
0x5c: {  	_ =	shalt  }
0x5d: {  	_ =	shalt  }
0x5e: {  	_ =	shalt  }
0x5f: {  	_ =	shalt  }
0x60: {  	_ =	shalt  }
0x61: {  	_ =	shalt  }
0x62: {  	_ =	shalt  }
0x63: {  	_ =	shalt  }
0x64: {  	_ =	shalt  }
0x65: {  	_ =	shalt  }
0x66: {  	_ =	shalt  }
0x67: {  	_ =	shalt  }
0x68: {  	_ =	shalt  }
0x69: {  	_ =	shalt  }
0x6a: {  	_ =	shalt  }
0x6b: {  	_ =	shalt  }
0x6c: {  	_ =	shalt  }
0x6d: {  	_ =	shalt  }
0x6e: {  	_ =	shalt  }
0x6f: {  	_ =	shalt  }
0x70: {  	_ =	shalt  }
0x71: {  	_ =	shalt  }
0x72: {  	_ =	shalt  }
0x73: {  	_ =	shalt  }
0x74: {  	_ =	shalt  }
0x75: {  	_ =	shalt  }
0x76: {  	_ =	shalt  }
0x77: {  	_ =	shalt  }
0x78: {  	_ =	shalt  }
0x79: {  	_ =	shalt  }
0x7a: {  	_ =	shalt  }
0x7b: {  	_ =	shalt  }
0x7c: {  	_ =	shalt  }
0x7d: {  	_ =	shalt  }
0x7e: {  	_ =	shalt  }
0x7f: {  	_ =	shalt  }
0x80: {  	_ =	shalt  }
0x81: {  	_ =	shalt  }
0x82: {  	_ =	shalt  }
0x83: {  	_ =	shalt  }
0x84: {  	_ =	shalt  }
0x85: {  	_ =	shalt  }
0x86: {  	_ =	shalt  }
0x87: {  	_ =	shalt  }
.Lfunc_end0:
.L_simem_size_0:
called_computation.1_lowered:
.L_overlay_start_0:
0x88: {  	s2 =	sld [smem:$0x3FD9]  }
0x89: {  	s3 =	sld [smem:$0x3FFE];
	_ =	sdelay $0x1  }
0x8a: {  	s1 =	srdreg.scid  }
0x8b: {  	s0 =	sand.u32 $0x1, s1  }
0x8c: {  	s16 =	sshll.u32 s0, $0xA;
	s2 =	sadd.s32 s3, s2  }
0x8d: {  	s2 =	sadd.s32 s2, s16  }
0x8e: {  	[smem:$0x3FBE] =	sst s2  }
0x8f: {  	_ = 	snop  }
0x90: {  	(tm) =	ssettm $0x1  }
0x91: {  	s17 =	sld [smem:$0x3FFB];
	_ =	sdelay $0x3  }
0x92: {  	_ =	strace s17  }
0x93: {  	s2 =	sld [smem:$0x3FFC];
	_ =	sdelay $0x3  }
0x94: {  	_ =	strace s2  }
0x95: {  	s2 =	sld [smem:$0x3FFD];
	_ =	sdelay $0x3  }
0x96: {  	_ =	strace s2  }
0x97: {  	_ =	strace $0x8FFFFFFF  }
0x98: {  	s18 =	sld [smem:$0x3FDB];
	_ =	sdelay $0x1  }
0x99: {  	s19 =	simm.s32 $_scs_section_size  }
0x9a: {  	s4 =	simm.s32 $_size__tile_overlayer_lowered;
	s5 =	simm.s32 $_tile_overlayer_lowered  }
0x9b: {  	s22 =	simm.s32 $0x1BFF;
	s21 =	sshll.u32 s5, $0x1;
	s2 =	sadd.s32 s19, s18  }
0x9c: {  	s6 =	simm.s32 $0x0;
	s20 =	sshll.u32 s4, $0x1;
	s4 =	sadd.s32 s21, s2  }
0x9d: {  	[timem:s6], [sflag:s22] =	dma.local [hbm:s4], s20  }
0x9e: {  	_ =	swait.ge [sflag:s22], s20  }
0x9f: {  	s3 =	ssub.s32 $0x0, s20;
	[sflag:s22] =	ssyncset.done $0x0  }
0xa0: {  	[sflag:s22] =	ssyncadd.s32 s3;
	_ =	sdelay $0x1  }
0xa1: {  	s23 =	simm.s32 $0x1B8B  }
0xa2: {  	_ =	swait.ge [sflag:s23], $0x1  }
0xa3: {  	[sflag:s23] =	ssyncset.done $0x0  }
0xa4: {  	s25 =	simm.s32 $0x1B8E;
	s24 =	sld [smem:$0x3FFE];
	[sflag:s23] =	ssyncadd.s32 $0xFFFFFFFF  }
0xa5: {  	s26 =	simm.s32 $execute0_lowered;
	[smem:$0x3FD2] =	sst s25  }
0xa6: {  	s4 =	sshll.u32 s26, $0x1;
	_ =	strace $0x80000049;
	[dreg:$0x1] =	wrdreg $0xFFFFFFFF  }
0xa7: {  	s28 =	simm.s32 $_size_execute0_lowered;
	s2 =	sadd.s32 s2, s4;
	[dreg:$0x0] =	wrdreg $0x0  }
0xa8: {  	s4 =	sshll.u32 s28, $0x1;
	[dreg:$0x2] =	wrdreg s2  }
0xa9: {  	[dreg:$0x3] =	wrdreg s4  }
0xaa: {  	[dreg:$0x4] =	wrdreg $0xC0  }
0xab: {  	_ =	task [dreg:s6], $0x5FFFF  }
0xac: {  	[dreg:$0x1] =	wrdreg $0xFFFFFFFF  }
0xad: {  	[dreg:$0x0] =	wrdreg $0x60  }
0xae: {  	[dreg:$0x2] =	wrdreg s24  }
0xaf: {  	[dreg:$0x3] =	wrdreg $0xAC000  }
0xb0: {  	[dreg:$0x4] =	wrdreg $0x9  }
0xb1: {  	_ =	task.clear_ibuf [dreg:s6], $0x5FFFF;
	_ =	strace $0x90000049  }
0xb2: {  	s29 =	simm.s32 $0x9;
	_ =	strace $0x8000004B  }
0xb3: {  	_ =	swait.ge [sflag:s29], $0x1  }
0xb4: {  	[sflag:s29] =	ssyncadd.s32 $0xFFFFFFFF  }
0xb5: {  	_ =	strace $0x9000004B  }
0xb6: {  	_ =	sfence  }
0xb7: {  	s30 =	sld [smem:$0x0];
	_ =	sdelay $0x2  }
0xb8: {  	s31 =	sshll.u32 s1, $0xD;
	s1 =	sshrl.u32 s1, $0x2  }
0xb9: {  	s3 =	sand.u32 $0x4000, s31;
	s1 =	sadd.s32 s1, s30  }
0xba: {  	s0 =	sor.u32 s3, s0;
	s1 =	sshll.u32 s1, $0x11  }
0xbb: {  	s0 =	sor.u32 s1, s0  }
0xbc: {  	s0 =	sadd.s32 $0x8F2B, s0  }
0xbd: {  	[sflag:s0] =	ssyncadd.remote.s32 $0x1  }
0xbe: {  	_ =	sfence.sel $0xFFFF  }
0xbf: {  	[dreg:$0x0] =	wrdreg $0xFFFFFFFF;
	(pc) =	sbr.abs _section_cstart, $3  }
0xc0: {  	[dreg:$0x1] =	wrdreg $0xFFFFFFFF  }
0xc1: {  	_ =	task.clear_ibuf [dreg:s6], $0x2FFFF;
	_ =	strace $0x9FFFFFFF  }
0xc2: {  	(tm) =	ssettm $0x7FFFFFFF  }
0xc3: {  	_ =	shalt  }
tec
execute0_lowered:
.L_overlay_start_1:
0x0: {  	(tag) =	ssettag $0x1  }
0x1: {  	s0 =	rddreg [dreg:$0x0];
	s1 =	srdreg.scid  }
0x2: {  	s2 =	rddreg [dreg:$0x1];
	s8 =	stileid.u32  }
0x3: {  	s3 =	simm.s32 $0x0;
	s14 =	simm.s32 $0xA400;
	s15 =	simm.s32 $0x3  }
0x4: {  	s16 =	simm.s32 $0xA000;
	s17 =	simm.s32 $0xA080;
	s18 =	simm.s32 $0x1  }
0x5: {  	s19 =	simm.s32 $0x2;
	s20 =	simm.s32 $0x80;
	s21 =	simm.s32 $0xA280  }
0x6: {  	s22 =	simm.s32 $0xA100;
	s23 =	simm.s32 $0x4;
	s25 =	simm.s32 $0xA300  }
0x7: {  	s26 =	simm.s32 $0xA180;
	s28 =	simm.s32 $0xA380;
	s29 =	simm.s32 $0xA200  }
0x8: {  	s30 =	simm.s32 $0x0;
	s1 =	sand.u32 $0x1, s1;
	s5 =	smul.u32 $0x4E, s8  }
0x9: {  	[smem:$0x7FF] =	sst s3;
	s6 =	smin.u32 s8, $0x2;
	s11 =	smul.u32 $0x2800, s8  }
0xa: {  	p0 =	slt.u32 s8, $0x2;
	s8 =	simm.s32 $0x4F;
	s4 =	smul.u32 $0x4E2, s1  }
0xb: {  	_ =	strace $0x8000004A;
	s31 =	smul.u32 $0x5000, s1;
	s1 =	ssub.s32 $0x2, s1  }
0xc: {  	s8 =	simm.s32 @!p0 $0x4E;
	s7 =	sshrl.u32 s1, $0x1;
	s5 =	sadd.s32 s5, s4  }
0xd: {  	s24 =	sshrl.u32 s11, $0x3;
	s4 =	sadd.s32 $0x14A00, s0;
	s5 =	sadd.s32 s6, s5  }
.Ltmp0:
0xe: {  	s1 =	ssub.s32 s1, s7;
	s5 =	sshll.u32 s5, $0x4;
	(pc) =	sbr.rel .LBB2_1-.Ltmp0, $4  }
0xf: {  	s12 =	sadd.s32 s5, s0;
	s5 =	sadd.s32 s11, s2;
	s0 =	sadd.s32 s31, s0  }
0x10: {  	s11 =	smax.u32 s1, $0x1;
	s6 =	sadd.s32 $0x800, s5;
	s7 =	sadd.s32 $0x1000, s5  }
0x11: {  	s9 =	sadd.s32 $0x1800, s5;
	s10 =	sadd.s32 $0x2000, s5;
	s13 =	sadd.s32 $0x15E00, s0  }
0x12: {  	v0 =	vimm.f32 $0.0e+00;
	s1 =	sadd.s32 $0xAC00, s12;
	s0 =	sadd.s32 $0xE00, s12;
	s24 =	sadd.s32 s24, s13  }
.LBB2_7:
0x13: {  	s12 =	stileid.u32;
	s30 =	sadd.s32 $0x1, s30  }
0x14: {  	[bflag:$0x0] =	sbarrier.arrive $0xFFFF;
	s12 =	sshll.u32 s12, $0x6;
	p0 =	sne.s32 s30, s11  }
.Ltmp1:
0x15: {  	s13 =	sshrl.u32 s5, $0x3;
	s12 =	sor.u32 $0x1C03, s12;
	(pc) =	sbr.rel @!p0 .LBB2_8-.Ltmp1, $4  }
0x16: {  	[hbm:s24], [sflag:s12] =	dma.local [spmem:s13], $0x500  }
0x17: {  	_ =	swait.ge [sflag:s15], $0x500  }
0x18: {  	[sflag:s15] =	ssyncset.done $0x0  }
0x19: {  	[sflag:s15] =	ssyncadd.s32 $0xFFFFFB00  }
.LBB2_1:
0x1a: {  	s12 =	simm.s32 $0x40;
	s13 =	simm.s32 $0x0  }
.LBB2_2:
0x1b: {  	p0 =	sne.s32 s12, $0x1FC0;
	[tilespmem:s13+$0xA400] =	vst v0;
	s13 =	smov.u32 s12;
	s12 =	sadd.s32 $0x40, s12  }
.Ltmp2:
0x1c: {  	(pc) =	sbr.rel @p0 .LBB2_2-.Ltmp2, $2  }
0x1d: {  	_ =	sdelay $0x2  }
0x1e: {  	s13 =	sshra.s32 s13, $0x2  }
0x1f: {  	[tilespmem:s13+$0xA400] =	vst v0  }
0x20: {  	[spmem:s5] =	stream.linear.scatter [tilespmem:s14], [sflag:$0x3], $0x800, $0x38;
	[tilespmem:$0xD400] =	vst v63  }
0x21: {  	_ =	swait.ge [sflag:s15], $0x800  }
0x22: {  	[sflag:s15] =	ssyncset.done $0x0  }
0x23: {  	[sflag:s15] =	ssyncadd.s32 $0xFFFFF800  }
0x24: {  	[spmem:s6] =	stream.linear.scatter [tilespmem:s14], [sflag:$0x3], $0x800, $0x38;
	[tilespmem:$0xD400] =	vst v63  }
0x25: {  	_ =	swait.ge [sflag:s15], $0x800  }
0x26: {  	[sflag:s15] =	ssyncset.done $0x0  }
0x27: {  	[sflag:s15] =	ssyncadd.s32 $0xFFFFF800  }
0x28: {  	[spmem:s7] =	stream.linear.scatter [tilespmem:s14], [sflag:$0x3], $0x800, $0x38;
	[tilespmem:$0xD400] =	vst v63  }
0x29: {  	_ =	swait.ge [sflag:s15], $0x800  }
0x2a: {  	[sflag:s15] =	ssyncset.done $0x0  }
0x2b: {  	[sflag:s15] =	ssyncadd.s32 $0xFFFFF800  }
0x2c: {  	[spmem:s9] =	stream.linear.scatter [tilespmem:s14], [sflag:$0x3], $0x800, $0x38;
	[tilespmem:$0xD400] =	vst v63  }
0x2d: {  	_ =	swait.ge [sflag:s15], $0x800  }
0x2e: {  	[sflag:s15] =	ssyncset.done $0x0  }
0x2f: {  	[sflag:s15] =	ssyncadd.s32 $0xFFFFF800  }
0x30: {  	[spmem:s10] =	stream.linear.scatter [tilespmem:s14], [sflag:$0x3], $0x800, $0x38;
	[tilespmem:$0xD400] =	vst v63  }
0x31: {  	_ =	swait.ge [sflag:s15], $0x800  }
0x32: {  	[sflag:s15] =	ssyncset.done $0x0  }
0x33: {  	s31 =	simm.s32 $0x0;
	[sflag:s15] =	ssyncadd.s32 $0xFFFFF800  }
0x34: {  	[tilespmem:s31], [sflag:$0x3] =	stream.linear.gather [hbm4b:s4+s31], $0xA000, $0x38;
	[tilespmem:$0xD400] =	vst v63  }
.Ltmp3:
0x35: {  	_ =	swait.ge [sflag:s15], $0xA000;
	(pc) =	sbr.rel .LBB2_4-.Ltmp3, $4  }
0x36: {  	[sflag:s15] =	ssyncset.done $0x0  }
0x37: {  	[sflag:s15] =	ssyncadd.s32 $0xFFFF6000  }
0x38: {  	[bflag:$0x0] =	sbarrier.arrive $0xFFFF  }
0x39: {  	s13 =	smov.u32 s0;
	s12 =	smov.u32 s1  }
.LBB2_6:
0x3a: {  	s31 =	sadd.s32 $0x1, s31  }
0x3b: {  	p0 =	sne.s32 s31, $0x4F  }
.Ltmp4:
0x3c: {  	_ = 	snop;
	(pc) =	sbr.rel @!p0 .LBB2_7-.Ltmp4, $2  }
0x3d: {  	_ =	sdelay $0x2  }
0x3e: {  	s12 =	sadd.s32 $0x10, s12;
	s13 =	sadd.s32 $0x10, s13  }
.LBB2_4:
0x3f: {  	p0 =	sge.u32 s31, s8  }
.Ltmp5:
0x40: {  	_ = 	snop;
	(pc) =	sbr.rel @p0 .LBB2_6-.Ltmp5, $1  }
0x41: {  	_ =	sdelay $0x3  }
0x42: {  	[tilespmem:s16], [sflag:$0x1] =	stream.linear.gather [hbm4b:s12+s3], $0x80, $0x38;
	[tilespmem:$0xD400] =	vst v63  }
0x43: {  	_ = 	snop  }
0x44: {  	[tilespmem:s17], [sflag:$0x2] =	stream.linear.gather [hbm4b:s13+s3], $0x80, $0x38;
	[tilespmem:$0xD400] =	vst v63  }
0x45: {  	_ =	swait.ge [sflag:s18], $0x80  }
0x46: {  	[sflag:s18] =	ssyncset.done $0x0  }
0x47: {  	[sflag:s18] =	ssyncadd.s32 $0xFFFFFF80  }
0x48: {  	_ =	swait.ge [sflag:s19], $0x80  }
0x49: {  	[sflag:s19] =	ssyncset.done $0x0  }
0x4a: {  	[sflag:s19] =	ssyncadd.s32 $0xFFFFFF80  }
0x4b: {  	v1 =	vld [tilespmem:$0xA000]  }
0x4c: {  	v2 =	vld [tilespmem:$0xA080];
	_ =	sdelay $0x3  }
0x4d: {  	v1 =	vshll.u32 v1, $0x2  }
0x4e: {  	v4 =	vshll.u32 v2, $0x2;
	v3 =	vor.u32 $0x2, v1  }
0x4f: {  	v4 =	vor.u32 $0x3, v4;
	_ =	sdelay $0x3  }
0x50: {  	v3 =	vld.idx.msk [tilespmem:v3+s3+$0x0], $0xffff  }
0x51: {  	v4 =	vld.idx.msk [tilespmem:v4+s3+$0x0], $0xffff;
	_ =	sdelay $0x4  }
0x52: {  	v3 =	vadd.f32 v4, v3;
	_ =	sdelay $0x1  }
0x53: {  	v4 =	vmul.f32 $2.000000030e-01, v3;
	_ =	sdelay $0x1  }
0x54: {  	v3 =	vmax.f32 v3, v4  }
0x55: {  	v3 =	vmul.f32 $1.442695020e+00, v3;
	_ =	sdelay $0x1  }
0x56: {  	(erf) = vpow2.f32 v3  }
0x57: {  	v3 =	vor.u32 $0x1, v1;
	_ =	sdelay $0x3  }
0x58: {  	v1 =	vld.idx.msk [tilespmem:v1+s3+$0x0], $0xffff  }
0x59: {  	v3 =	vld.idx.msk [tilespmem:v3+s3+$0x0], $0xffff  }
0x5a: {  	v42 =	vld [tilespmem:$0xA010]  }
0x5b: {  	v5 =	vld [tilespmem:$0xA090]  }
0x5c: {  	v6 =	vpop (erf)  }
0x5d: {  	v1 =	vmul.f32 v6, v1  }
0x5e: {  	v3 =	vmul.f32 v6, v3  }
0x5f: {  	[tilespmem:$0xA100] =	vst v1;
	v1 =	vshll.u32 v42, $0x2  }
0x60: {  	v43 =	vshll.u32 v5, $0x2;
	v2 =	vshll.u32 v2, $0x4;
	[tilespmem:$0xA180] =	vst v3;
	v3 =	vor.u32 $0x2, v1  }
0x61: {  	v44 =	vor.u32 $0x1, v2;
	v4 =	vor.u32 $0x3, v43;
	[tilespmem:$0xA280] =	vst v2  }
0x62: {  	[tilespmem:$0xA300] =	vst v44;
	v2 =	vor.u32 $0x2, v2  }
0x63: {  	[tilespmem:$0xA380] =	vst v2  }
0x64: {  	[tilespmem:$0xA200] =	vst v6  }
0x65: {  	v2 =	vld.idx.msk [tilespmem:v3+s3+$0x0], $0xffff  }
0x66: {  	v3 =	vld.idx.msk [tilespmem:v4+s3+$0x0], $0xffff;
	_ =	sdelay $0x4  }
0x67: {  	v2 =	vadd.f32 v3, v2;
	_ =	sdelay $0x1  }
0x68: {  	v3 =	vmul.f32 $2.000000030e-01, v2;
	_ =	sdelay $0x1  }
0x69: {  	v2 =	vmax.f32 v2, v3  }
0x6a: {  	v2 =	vmul.f32 $1.442695020e+00, v2;
	_ =	sdelay $0x1  }
0x6b: {  	(erf) = vpow2.f32 v2  }
0x6c: {  	v2 =	vor.u32 $0x1, v1;
	_ =	sdelay $0x3  }
0x6d: {  	v1 =	vld.idx.msk [tilespmem:v1+s3+$0x0], $0xffff  }
0x6e: {  	v2 =	vld.idx.msk [tilespmem:v2+s3+$0x0], $0xffff  }
0x6f: {  	v3 =	vld [tilespmem:$0xA020]  }
0x70: {  	v45 =	vld [tilespmem:$0xA0A0]  }
0x71: {  	v46 =	vpop (erf)  }
0x72: {  	v1 =	vmul.f32 v46, v1  }
0x73: {  	v2 =	vmul.f32 v46, v2  }
0x74: {  	[tilespmem:$0xA110] =	vst v1;
	v1 =	vshll.u32 v3, $0x2  }
0x75: {  	v5 =	vshll.u32 v5, $0x4;
	[tilespmem:$0xA190] =	vst v2;
	v3 =	vshll.u32 v45, $0x2;
	v2 =	vor.u32 $0x2, v1  }
0x76: {  	v47 =	vor.u32 $0x1, v5;
	[tilespmem:$0xA290] =	vst v5;
	v3 =	vor.u32 $0x3, v3  }
0x77: {  	[tilespmem:$0xA310] =	vst v47;
	v5 =	vor.u32 $0x2, v5  }
0x78: {  	[tilespmem:$0xA390] =	vst v5  }
0x79: {  	[tilespmem:$0xA210] =	vst v46  }
0x7a: {  	v2 =	vld.idx.msk [tilespmem:v2+s3+$0x0], $0xffff  }
0x7b: {  	v3 =	vld.idx.msk [tilespmem:v3+s3+$0x0], $0xffff;
	_ =	sdelay $0x4  }
0x7c: {  	v2 =	vadd.f32 v3, v2;
	_ =	sdelay $0x1  }
0x7d: {  	v3 =	vmul.f32 $2.000000030e-01, v2;
	_ =	sdelay $0x1  }
0x7e: {  	v2 =	vmax.f32 v2, v3  }
0x7f: {  	v2 =	vmul.f32 $1.442695020e+00, v2;
	_ =	sdelay $0x1  }
0x80: {  	(erf) = vpow2.f32 v2  }
0x81: {  	v2 =	vor.u32 $0x1, v1;
	_ =	sdelay $0x3  }
0x82: {  	v1 =	vld.idx.msk [tilespmem:v1+s3+$0x0], $0xffff  }
0x83: {  	v2 =	vld.idx.msk [tilespmem:v2+s3+$0x0], $0xffff  }
0x84: {  	v3 =	vld [tilespmem:$0xA030]  }
0x85: {  	v48 =	vld [tilespmem:$0xA0B0]  }
0x86: {  	v49 =	vpop (erf)  }
0x87: {  	v1 =	vmul.f32 v49, v1  }
0x88: {  	v2 =	vmul.f32 v49, v2  }
0x89: {  	[tilespmem:$0xA120] =	vst v1;
	v1 =	vshll.u32 v3, $0x2  }
0x8a: {  	v4 =	vshll.u32 v45, $0x4;
	[tilespmem:$0xA1A0] =	vst v2;
	v3 =	vshll.u32 v48, $0x2;
	v2 =	vor.u32 $0x2, v1  }
0x8b: {  	v50 =	vor.u32 $0x1, v4;
	[tilespmem:$0xA2A0] =	vst v4;
	v3 =	vor.u32 $0x3, v3  }
0x8c: {  	[tilespmem:$0xA320] =	vst v50;
	v4 =	vor.u32 $0x2, v4  }
0x8d: {  	[tilespmem:$0xA3A0] =	vst v4  }
0x8e: {  	[tilespmem:$0xA220] =	vst v49  }
0x8f: {  	v2 =	vld.idx.msk [tilespmem:v2+s3+$0x0], $0xffff  }
0x90: {  	v3 =	vld.idx.msk [tilespmem:v3+s3+$0x0], $0xffff;
	_ =	sdelay $0x4  }
0x91: {  	v2 =	vadd.f32 v3, v2;
	_ =	sdelay $0x1  }
0x92: {  	v3 =	vmul.f32 $2.000000030e-01, v2;
	_ =	sdelay $0x1  }
0x93: {  	v2 =	vmax.f32 v2, v3  }
0x94: {  	v2 =	vmul.f32 $1.442695020e+00, v2;
	_ =	sdelay $0x1  }
0x95: {  	(erf) = vpow2.f32 v2  }
0x96: {  	v2 =	vor.u32 $0x1, v1;
	_ =	sdelay $0x3  }
0x97: {  	v1 =	vld.idx.msk [tilespmem:v1+s3+$0x0], $0xffff  }
0x98: {  	v2 =	vld.idx.msk [tilespmem:v2+s3+$0x0], $0xffff  }
0x99: {  	v3 =	vld [tilespmem:$0xA040]  }
0x9a: {  	v51 =	vld [tilespmem:$0xA0C0]  }
0x9b: {  	v52 =	vpop (erf)  }
0x9c: {  	v1 =	vmul.f32 v52, v1  }
0x9d: {  	v2 =	vmul.f32 v52, v2  }
0x9e: {  	[tilespmem:$0xA130] =	vst v1;
	v1 =	vshll.u32 v3, $0x2  }
0x9f: {  	v5 =	vshll.u32 v48, $0x4;
	[tilespmem:$0xA1B0] =	vst v2;
	v3 =	vshll.u32 v51, $0x2;
	v2 =	vor.u32 $0x2, v1  }
0xa0: {  	v53 =	vor.u32 $0x1, v5;
	[tilespmem:$0xA2B0] =	vst v5;
	v3 =	vor.u32 $0x3, v3  }
0xa1: {  	[tilespmem:$0xA330] =	vst v53;
	v5 =	vor.u32 $0x2, v5  }
0xa2: {  	[tilespmem:$0xA3B0] =	vst v5  }
0xa3: {  	[tilespmem:$0xA230] =	vst v52  }
0xa4: {  	v2 =	vld.idx.msk [tilespmem:v2+s3+$0x0], $0xffff  }
0xa5: {  	v3 =	vld.idx.msk [tilespmem:v3+s3+$0x0], $0xffff;
	_ =	sdelay $0x4  }
0xa6: {  	v2 =	vadd.f32 v3, v2;
	_ =	sdelay $0x1  }
0xa7: {  	v3 =	vmul.f32 $2.000000030e-01, v2;
	_ =	sdelay $0x1  }
0xa8: {  	v2 =	vmax.f32 v2, v3  }
0xa9: {  	v2 =	vmul.f32 $1.442695020e+00, v2;
	_ =	sdelay $0x1  }
0xaa: {  	(erf) = vpow2.f32 v2  }
0xab: {  	v2 =	vor.u32 $0x1, v1;
	_ =	sdelay $0x3  }
0xac: {  	v1 =	vld.idx.msk [tilespmem:v1+s3+$0x0], $0xffff  }
0xad: {  	v2 =	vld.idx.msk [tilespmem:v2+s3+$0x0], $0xffff  }
0xae: {  	v3 =	vld [tilespmem:$0xA050]  }
0xaf: {  	v54 =	vld [tilespmem:$0xA0D0]  }
0xb0: {  	v55 =	vpop (erf)  }
0xb1: {  	v1 =	vmul.f32 v55, v1  }
0xb2: {  	v2 =	vmul.f32 v55, v2  }
0xb3: {  	[tilespmem:$0xA140] =	vst v1;
	v1 =	vshll.u32 v3, $0x2  }
0xb4: {  	v4 =	vshll.u32 v51, $0x4;
	[tilespmem:$0xA1C0] =	vst v2;
	v3 =	vshll.u32 v54, $0x2;
	v2 =	vor.u32 $0x2, v1  }
0xb5: {  	v56 =	vor.u32 $0x1, v4;
	[tilespmem:$0xA2C0] =	vst v4;
	v3 =	vor.u32 $0x3, v3  }
0xb6: {  	[tilespmem:$0xA340] =	vst v56;
	v4 =	vor.u32 $0x2, v4  }
0xb7: {  	[tilespmem:$0xA3C0] =	vst v4  }
0xb8: {  	[tilespmem:$0xA240] =	vst v55  }
0xb9: {  	v2 =	vld.idx.msk [tilespmem:v2+s3+$0x0], $0xffff  }
0xba: {  	v3 =	vld.idx.msk [tilespmem:v3+s3+$0x0], $0xffff;
	_ =	sdelay $0x4  }
0xbb: {  	v2 =	vadd.f32 v3, v2;
	_ =	sdelay $0x1  }
0xbc: {  	v3 =	vmul.f32 $2.000000030e-01, v2;
	_ =	sdelay $0x1  }
0xbd: {  	v2 =	vmax.f32 v2, v3  }
0xbe: {  	v2 =	vmul.f32 $1.442695020e+00, v2;
	_ =	sdelay $0x1  }
0xbf: {  	(erf) = vpow2.f32 v2  }
0xc0: {  	v2 =	vor.u32 $0x1, v1;
	_ =	sdelay $0x3  }
0xc1: {  	v1 =	vld.idx.msk [tilespmem:v1+s3+$0x0], $0xffff  }
0xc2: {  	v2 =	vld.idx.msk [tilespmem:v2+s3+$0x0], $0xffff  }
0xc3: {  	v3 =	vld [tilespmem:$0xA060]  }
0xc4: {  	v57 =	vld [tilespmem:$0xA0E0]  }
0xc5: {  	v58 =	vpop (erf)  }
0xc6: {  	v1 =	vmul.f32 v58, v1  }
0xc7: {  	v2 =	vmul.f32 v58, v2  }
0xc8: {  	[tilespmem:$0xA150] =	vst v1;
	v1 =	vshll.u32 v3, $0x2  }
0xc9: {  	v5 =	vshll.u32 v54, $0x4;
	[tilespmem:$0xA1D0] =	vst v2;
	v3 =	vshll.u32 v57, $0x2;
	v2 =	vor.u32 $0x2, v1  }
0xca: {  	v59 =	vor.u32 $0x1, v5;
	[tilespmem:$0xA2D0] =	vst v5;
	v3 =	vor.u32 $0x3, v3  }
0xcb: {  	[tilespmem:$0xA350] =	vst v59;
	v5 =	vor.u32 $0x2, v5  }
0xcc: {  	[tilespmem:$0xA3D0] =	vst v5  }
0xcd: {  	[tilespmem:$0xA250] =	vst v58  }
0xce: {  	v2 =	vld.idx.msk [tilespmem:v2+s3+$0x0], $0xffff  }
0xcf: {  	v3 =	vld.idx.msk [tilespmem:v3+s3+$0x0], $0xffff;
	_ =	sdelay $0x4  }
0xd0: {  	v2 =	vadd.f32 v3, v2;
	_ =	sdelay $0x1  }
0xd1: {  	v3 =	vmul.f32 $2.000000030e-01, v2;
	_ =	sdelay $0x1  }
0xd2: {  	v2 =	vmax.f32 v2, v3  }
0xd3: {  	v2 =	vmul.f32 $1.442695020e+00, v2;
	_ =	sdelay $0x1  }
0xd4: {  	(erf) = vpow2.f32 v2  }
0xd5: {  	v2 =	vor.u32 $0x1, v1;
	_ =	sdelay $0x2  }
0xd6: {  	v60 =	vld [tilespmem:$0xA0F0]  }
0xd7: {  	v1 =	vld.idx.msk [tilespmem:v1+s3+$0x0], $0xffff  }
0xd8: {  	v2 =	vld.idx.msk [tilespmem:v2+s3+$0x0], $0xffff  }
0xd9: {  	v3 =	vld [tilespmem:$0xA070];
	_ =	sdelay $0x1  }
0xda: {  	v61 =	vpop (erf)  }
0xdb: {  	v1 =	vmul.f32 v61, v1  }
0xdc: {  	v62 =	vshll.u32 v60, $0x2;
	v2 =	vmul.f32 v61, v2;
	[tilespmem:$0xA260] =	vst v61  }
0xdd: {  	v4 =	vor.u32 $0x3, v62;
	[tilespmem:$0xA160] =	vst v1;
	v1 =	vshll.u32 v3, $0x2  }
0xde: {  	v3 =	vshll.u32 v57, $0x4;
	[tilespmem:$0xA1E0] =	vst v2;
	v2 =	vor.u32 $0x2, v1  }
0xdf: {  	v63 =	vor.u32 $0x1, v3;
	[tilespmem:$0xA2E0] =	vst v3  }
0xe0: {  	v3 =	vor.u32 $0x2, v3;
	[tilespmem:$0xA360] =	vst v63  }
0xe1: {  	[tilespmem:$0xA3E0] =	vst v3  }
0xe2: {  	v3 =	vld.idx.msk [tilespmem:v4+s3+$0x0], $0xffff  }
0xe3: {  	v2 =	vld.idx.msk [tilespmem:v2+s3+$0x0], $0xffff;
	_ =	sdelay $0x4  }
0xe4: {  	v2 =	vadd.f32 v3, v2;
	_ =	sdelay $0x1  }
0xe5: {  	v3 =	vmul.f32 $2.000000030e-01, v2;
	_ =	sdelay $0x1  }
0xe6: {  	v2 =	vmax.f32 v2, v3  }
0xe7: {  	v2 =	vmul.f32 $1.442695020e+00, v2;
	_ =	sdelay $0x1  }
0xe8: {  	(erf) = vpow2.f32 v2  }
0xe9: {  	v2 =	vor.u32 $0x1, v1;
	_ =	sdelay $0x3  }
0xea: {  	v1 =	vld.idx.msk [tilespmem:v1+s3+$0x0], $0xffff  }
0xeb: {  	v2 =	vld.idx.msk [tilespmem:v2+s3+$0x0], $0xffff;
	_ =	sdelay $0x2  }
0xec: {  	v3 =	vpop (erf)  }
0xed: {  	v1 =	vmul.f32 v3, v1  }
0xee: {  	v2 =	vmul.f32 v3, v2;
	[tilespmem:$0xA270] =	vst v3  }
0xef: {  	[tilespmem:$0xA170] =	vst v1  }
0xf0: {  	[tilespmem:$0xA1F0] =	vst v2;
	v1 =	vshll.u32 v60, $0x4  }
0xf1: {  	[tilespmem:$0xA2F0] =	vst v1;
	v2 =	vor.u32 $0x1, v1  }
0xf2: {  	v1 =	vor.u32 $0x2, v1;
	[tilespmem:$0xA370] =	vst v2  }
0xf3: {  	[tilespmem:$0xA3F0] =	vst v1  }
0xf4: {  	[spmem:s2] =	stream.indirect.scatter.add.f32 [tilespmem:s22], [sflag:$0x4], $0x1, s21, s20, $0xb8;
	[tilespmem:$0xD400] =	vst v63  }
0xf5: {  	_ =	swait.ge [sflag:s23], $0x80  }
0xf6: {  	[sflag:s23] =	ssyncset.done $0x0  }
0xf7: {  	[sflag:s23] =	ssyncadd.s32 $0xFFFFFF80  }
0xf8: {  	[spmem:s2] =	stream.indirect.scatter.add.f32 [tilespmem:s26], [sflag:$0x4], $0x1, s25, s20, $0xb8;
	[tilespmem:$0xD400] =	vst v63  }
0xf9: {  	_ =	swait.ge [sflag:s23], $0x80  }
0xfa: {  	[sflag:s23] =	ssyncset.done $0x0  }
.Ltmp6:
0xfb: {  	[sflag:s23] =	ssyncadd.s32 $0xFFFFFF80;
	(pc) =	sbr.rel .LBB2_6-.Ltmp6, $4  }
0xfc: {  	[spmem:s2] =	stream.indirect.scatter.add.f32 [tilespmem:s29], [sflag:$0x3], $0x1, s28, s20, $0xb8;
	[tilespmem:$0xD400] =	vst v63  }
0xfd: {  	_ =	swait.ge [sflag:s15], $0x80  }
0xfe: {  	[sflag:s15] =	ssyncset.done $0x0  }
0xff: {  	[sflag:s15] =	ssyncadd.s32 $0xFFFFFF80  }
.LBB2_8:
0x100: {  	_ =	sfence.sel $0x180000  }
0x101: {  	[bflag:$0x0] =	sbarrier.arrive $0xFFFF  }
0x102: {  	_ =	strace $0x9000004A  }
0x103: {  	s0 =	stileid.u32;
	[bflag:$0x2] =	sbarrier.arrive $0xFFFF  }
0x104: {  	p0 =	sne.s32 s0, $0x0;
	s0 =	rddreg [dreg:$0x2]  }
0x105: {  	s0 =	sadd.s32 @!p0 $0x100000, s0  }
0x106: {  	[sflag:s0] =	ssyncadd.tile.s32 @!p0 $0x1;
	_ =	shalt  }
.Lfunc_end2:
_tile_overlayer_lowered:
.L_overlay_start_2:
0x107: {  	(tag) =	ssettag $0x2  }
0x108: {  	s0 =	rddreg [dreg:$0x0];
	s2 =	stileid.u32  }
0x109: {  	s1 =	rddreg [dreg:$0x1];
	p0 =	sne.s32 s2, $0x0  }
0x10a: {  	s3 =	rddreg [dreg:$0x2];
	[bflag:$0x3] =	sbarrier.arrive $0xFFFF;
	s2 =	simm.s32 @!p0 $0x1C03  }
0x10b: {  	[timem:s3], [sflag:s2] =	dma.local @!p0 [hbm:s0], s1  }
0x10c: {  	s0 =	simm.s32 @!p0 $0x3  }
0x10d: {  	_ =	swait.ge @!p0 [sflag:s0], s1  }
0x10e: {  	s1 =	ssub.s32 @!p0 $0x0, s1;
	[sflag:s0] =	ssyncset.done @!p0 $0x0  }
0x10f: {  	[sflag:s0] =	ssyncadd.s32 @!p0 s1  }
0x110: {  	[bflag:$0x3] =	sbarrier.arrive $0xFFFF  }
0x111: {  	_ =	shalt  }

// kernel: kernel.7.cloned.1.call-start
scs
__scs_entry_jumppad:
0x0: {  	(pc) =	sbr.rel $0x88, $3  }
0x1: {  	(tag) =	ssettag $0x0;
	lr =	simm.s32 $0x1  }
0x2: {  	[smem:$0x3F97] =	sst lr;
	_ =	strace $0xD0000000  }
0x3: {  	_ = 	snop  }
0x4: {  	_ = 	snop  }
0x5: {  	_ = 	snop  }
0x6: {  	_ = 	snop  }
0x7: {  	_ = 	snop  }
__scs_overlays_trampoline_lowered:
0x8: {  	[smem:$0x3FA6] =	sst s0  }
0x9: {  	[smem:$0x3FA7] =	sst s1  }
0xa: {  	[smem:$0x3FA8] =	sst s2  }
0xb: {  	[smem:$0x3FA9] =	sst s3  }
0xc: {  	[smem:$0x3FAA] =	sst s4  }
0xd: {  	[smem:$0x3FAB] =	sst s5  }
0xe: {  	[smem:$0x3FAC] =	sst s6  }
0xf: {  	[smem:$0x3FAD] =	sst s7  }
0x10: {  	[smem:$0x3FAE] =	sst s8  }
0x11: {  	[smem:$0x3FAF] =	sst s9;
	s0 =	simm.s32 @!p0 $0x0  }
0x12: {  	s1 =	sld [smem:$0x3F95];
	s0 =	simm.s32 @p0 $0x1  }
0x13: {  	[smem:$0x3FB0] =	sst s0;
	s0 =	simm.s32 @!p1 $0x0  }
0x14: {  	s2 =	sld [smem:$0x3F94];
	s0 =	simm.s32 @p1 $0x1  }
0x15: {  	[smem:$0x3FB1] =	sst s0;
	s0 =	simm.s32 @!p2 $0x0  }
0x16: {  	s3 =	sld [smem:$0x3FDB];
	s0 =	simm.s32 @p2 $0x1  }
0x17: {  	s4 =	simm.s32 $0x1BF5;
	[smem:$0x3FB3] =	sst s0  }
0x18: {  	s0 =	sld [smem:$0x3F96];
	_ =	swait.ge [sflag:s4], $0x0  }
0x19: {  	s7 =	sld [smem:$0x3F97]  }
0x1a: {  	s8 =	sadd.s32 $0xFFFFE003, lr  }
0x1b: {  	s9 =	sadd.s32 $0xFFFFFEF7, lr;
	s5 =	simm.s32 $0xFFFFFFFF;
	p2 =	slt.u32 s8, $0xFFFFF086  }
0x1c: {  	p1 =	slt.u32 s9, $0xF7A;
	s5 =	simm.s32 @!p2 $0x0  }
0x1d: {  	s5 =	simm.s32 @p1 $0x1;
	p0 =	seq.s32 s7, s2  }
0x1e: {  	s7 =	smul.u32 @!p0 $0xF7A, s2;
	p2 =	seq.s32 @!p0 s5, $0x0  }
0x1f: {  	s9 =	smul.u32 $0xF7A, s1;
	s8 =	simm.s32 @!p0 $0x1BF5;
	p2 =	por !p2, p0  }
0x20: {  	[sflag:s8] =	ssyncset.s32 @!p0 $0xFFFFF086;
	s6 =	sadd.s32 @!p0 s3, s7;
	s7 =	simm.s32 @!p0 $0x108  }
0x21: {  	s3 =	sadd.s32 s3, s9;
	s6 =	sadd.s32 @!p0 $0x88, s6;
	s7 =	simm.s32 @p2 $0x1082  }
0x22: {  	[simem:s7], [sflag:s8] =	dma.local @!p0 [hbm:s6], $0xF7A  }
0x23: {  	s9 =	sor.u32 $0xD0000000, s2;
	s6 =	simm.s32 $0x108;
	_ =	swait.ge @!p0 [sflag:s8], $0x0  }
0x24: {  	s3 =	sadd.s32 $0x88, s3;
	s6 =	simm.s32 @!p1 $0x1082;
	[sflag:s4] =	ssyncset.s32 $0xFFFFF086  }
0x25: {  	[simem:s6], [sflag:s4] =	dma.local [hbm:s3], $0xF7A  }
0x26: {  	[smem:$0x3F97] =	sst s1;
	(tag) =	ssettag s2;
	_ =	strace s9  }
0x27: {  	s1 =	sld [smem:$0x3FA7]  }
0x28: {  	s2 =	sld [smem:$0x3FA8]  }
0x29: {  	s4 =	sld [smem:$0x3FAA]  }
0x2a: {  	p0 =	seq.s32 s5, $0x0;
	s5 =	sld [smem:$0x3FAB]  }
0x2b: {  	s6 =	sld [smem:$0x3FAC]  }
0x2c: {  	s7 =	sld [smem:$0x3FAD]  }
0x2d: {  	s3 =	simm.s32 $0x108;
	s8 =	sld [smem:$0x3FAE]  }
0x2e: {  	s3 =	simm.s32 @!p0 $0x1082;
	s9 =	sld [smem:$0x3FAF]  }
0x2f: {  	lr =	sadd.s32 s0, s3;
	s0 =	sld [smem:$0x3FA6]  }
0x30: {  	s3 =	sld [smem:$0x3FA9]  }
0x31: {  	[smem:$0x3FB2] =	sst s10  }
0x32: {  	s10 =	sld [smem:$0x3FB0];
	_ =	sdelay $0x3  }
0x33: {  	p0 =	seq.s32 s10, $0x1;
	s10 =	sld [smem:$0x3FB2];
	_ =	sdelay $0x3  }
0x34: {  	[smem:$0x3FB2] =	sst s10  }
0x35: {  	s10 =	sld [smem:$0x3FB1];
	_ =	sdelay $0x3  }
0x36: {  	p1 =	seq.s32 s10, $0x1;
	s10 =	sld [smem:$0x3FB2];
	_ =	sdelay $0x3  }
0x37: {  	[smem:$0x3FB2] =	sst s10  }
0x38: {  	s10 =	sld [smem:$0x3FB3]  }
0x39: {  	_ = 	snop;
	(pc) =	sbr.ind lr, $3  }
0x3a: {  	_ = 	snop  }
0x3b: {  	_ = 	snop  }
0x3c: {  	p2 =	seq.s32 s10, $0x1;
	s10 =	sld [smem:$0x3FB2]  }
0x3d: {  	_ =	shalt  }
0x3e: {  	_ =	shalt  }
0x3f: {  	_ =	shalt  }
0x40: {  	_ =	shalt  }
0x41: {  	_ =	shalt  }
0x42: {  	_ =	shalt  }
0x43: {  	_ =	shalt  }
0x44: {  	_ =	shalt  }
0x45: {  	_ =	shalt  }
0x46: {  	_ =	shalt  }
0x47: {  	_ =	shalt  }
0x48: {  	_ =	shalt  }
0x49: {  	_ =	shalt  }
0x4a: {  	_ =	shalt  }
0x4b: {  	_ =	shalt  }
0x4c: {  	_ =	shalt  }
0x4d: {  	_ =	shalt  }
0x4e: {  	_ =	shalt  }
0x4f: {  	_ =	shalt  }
0x50: {  	_ =	shalt  }
0x51: {  	_ =	shalt  }
0x52: {  	_ =	shalt  }
0x53: {  	_ =	shalt  }
0x54: {  	_ =	shalt  }
0x55: {  	_ =	shalt  }
0x56: {  	_ =	shalt  }
0x57: {  	_ =	shalt  }
0x58: {  	_ =	shalt  }
0x59: {  	_ =	shalt  }
0x5a: {  	_ =	shalt  }
0x5b: {  	_ =	shalt  }
0x5c: {  	_ =	shalt  }
0x5d: {  	_ =	shalt  }
0x5e: {  	_ =	shalt  }
0x5f: {  	_ =	shalt  }
0x60: {  	_ =	shalt  }
0x61: {  	_ =	shalt  }
0x62: {  	_ =	shalt  }
0x63: {  	_ =	shalt  }
0x64: {  	_ =	shalt  }
0x65: {  	_ =	shalt  }
0x66: {  	_ =	shalt  }
0x67: {  	_ =	shalt  }
0x68: {  	_ =	shalt  }
0x69: {  	_ =	shalt  }
0x6a: {  	_ =	shalt  }
0x6b: {  	_ =	shalt  }
0x6c: {  	_ =	shalt  }
0x6d: {  	_ =	shalt  }
0x6e: {  	_ =	shalt  }
0x6f: {  	_ =	shalt  }
0x70: {  	_ =	shalt  }
0x71: {  	_ =	shalt  }
0x72: {  	_ =	shalt  }
0x73: {  	_ =	shalt  }
0x74: {  	_ =	shalt  }
0x75: {  	_ =	shalt  }
0x76: {  	_ =	shalt  }
0x77: {  	_ =	shalt  }
0x78: {  	_ =	shalt  }
0x79: {  	_ =	shalt  }
0x7a: {  	_ =	shalt  }
0x7b: {  	_ =	shalt  }
0x7c: {  	_ =	shalt  }
0x7d: {  	_ =	shalt  }
0x7e: {  	_ =	shalt  }
0x7f: {  	_ =	shalt  }
0x80: {  	_ =	shalt  }
0x81: {  	_ =	shalt  }
0x82: {  	_ =	shalt  }
0x83: {  	_ =	shalt  }
0x84: {  	_ =	shalt  }
0x85: {  	_ =	shalt  }
0x86: {  	_ =	shalt  }
0x87: {  	_ =	shalt  }
.Lfunc_end0:
.L_simem_size_0:
called_computation_lowered:
.L_overlay_start_0:
0x88: {  	s2 =	sld [smem:$0x3FD9]  }
0x89: {  	s3 =	sld [smem:$0x3FFE];
	_ =	sdelay $0x1  }
0x8a: {  	s1 =	srdreg.scid  }
0x8b: {  	s0 =	sand.u32 $0x1, s1  }
0x8c: {  	s16 =	sshll.u32 s0, $0xA;
	s2 =	sadd.s32 s3, s2  }
0x8d: {  	s2 =	sadd.s32 s2, s16  }
0x8e: {  	[smem:$0x3FBE] =	sst s2  }
0x8f: {  	_ = 	snop  }
0x90: {  	(tm) =	ssettm $0x1  }
0x91: {  	s17 =	sld [smem:$0x3FFB];
	_ =	sdelay $0x3  }
0x92: {  	_ =	strace s17  }
0x93: {  	s2 =	sld [smem:$0x3FFC];
	_ =	sdelay $0x3  }
0x94: {  	_ =	strace s2  }
0x95: {  	s2 =	sld [smem:$0x3FFD];
	_ =	sdelay $0x3  }
0x96: {  	_ =	strace s2  }
0x97: {  	_ =	strace $0x8FFFFFFF  }
0x98: {  	s18 =	sld [smem:$0x3FDB];
	_ =	sdelay $0x1  }
0x99: {  	s19 =	simm.s32 $_scs_section_size  }
0x9a: {  	s4 =	simm.s32 $_size__tile_overlayer_lowered;
	s5 =	simm.s32 $_tile_overlayer_lowered  }
0x9b: {  	s22 =	simm.s32 $0x1BFF;
	s21 =	sshll.u32 s5, $0x1;
	s2 =	sadd.s32 s19, s18  }
0x9c: {  	s6 =	simm.s32 $0x0;
	s20 =	sshll.u32 s4, $0x1;
	s4 =	sadd.s32 s21, s2  }
0x9d: {  	[timem:s6], [sflag:s22] =	dma.local [hbm:s4], s20  }
0x9e: {  	_ =	swait.ge [sflag:s22], s20  }
0x9f: {  	s3 =	ssub.s32 $0x0, s20;
	[sflag:s22] =	ssyncset.done $0x0  }
0xa0: {  	[sflag:s22] =	ssyncadd.s32 s3;
	_ =	sdelay $0x1  }
0xa1: {  	s23 =	simm.s32 $0x1B8B  }
0xa2: {  	_ =	swait.ge [sflag:s23], $0x1  }
0xa3: {  	[sflag:s23] =	ssyncset.done $0x0  }
0xa4: {  	s25 =	simm.s32 $0x1B8E;
	s24 =	sld [smem:$0x3FFE];
	[sflag:s23] =	ssyncadd.s32 $0xFFFFFFFF  }
0xa5: {  	s26 =	simm.s32 $execute0_lowered;
	[smem:$0x3FD2] =	sst s25  }
0xa6: {  	s4 =	sshll.u32 s26, $0x1;
	_ =	strace $0x80000046;
	[dreg:$0x1] =	wrdreg $0xFFFFFFFF  }
0xa7: {  	s28 =	simm.s32 $_size_execute0_lowered;
	s2 =	sadd.s32 s2, s4;
	[dreg:$0x0] =	wrdreg $0x0  }
0xa8: {  	s4 =	sshll.u32 s28, $0x1;
	[dreg:$0x2] =	wrdreg s2  }
0xa9: {  	[dreg:$0x3] =	wrdreg s4  }
0xaa: {  	[dreg:$0x4] =	wrdreg $0xC0  }
0xab: {  	_ =	task [dreg:s6], $0x5FFFF  }
0xac: {  	[dreg:$0x1] =	wrdreg $0xFFFFFFFF  }
0xad: {  	[dreg:$0x0] =	wrdreg $0x60  }
0xae: {  	[dreg:$0x2] =	wrdreg s24  }
0xaf: {  	[dreg:$0x3] =	wrdreg $0x59000  }
0xb0: {  	[dreg:$0x4] =	wrdreg $0xF9000  }
0xb1: {  	[dreg:$0x5] =	wrdreg $0x9  }
0xb2: {  	_ =	task.clear_ibuf [dreg:s6], $0x6FFFF;
	_ =	strace $0x90000046  }
0xb3: {  	s29 =	simm.s32 $0x9;
	_ =	strace $0x80000048  }
0xb4: {  	_ =	swait.ge [sflag:s29], $0x1  }
0xb5: {  	[sflag:s29] =	ssyncadd.s32 $0xFFFFFFFF  }
0xb6: {  	_ =	strace $0x90000048  }
0xb7: {  	_ =	sfence  }
0xb8: {  	s30 =	sld [smem:$0x0];
	_ =	sdelay $0x2  }
0xb9: {  	s31 =	sshll.u32 s1, $0xD;
	s1 =	sshrl.u32 s1, $0x2  }
0xba: {  	s3 =	sand.u32 $0x4000, s31;
	s1 =	sadd.s32 s1, s30  }
0xbb: {  	s0 =	sor.u32 s3, s0;
	s1 =	sshll.u32 s1, $0x11  }
0xbc: {  	s0 =	sor.u32 s1, s0  }
0xbd: {  	s0 =	sadd.s32 $0x8F2B, s0  }
0xbe: {  	[sflag:s0] =	ssyncadd.remote.s32 $0x1  }
0xbf: {  	_ =	sfence.sel $0xFFFF  }
0xc0: {  	[dreg:$0x0] =	wrdreg $0xFFFFFFFF;
	(pc) =	sbr.abs _section_cstart, $3  }
0xc1: {  	[dreg:$0x1] =	wrdreg $0xFFFFFFFF  }
0xc2: {  	_ =	task.clear_ibuf [dreg:s6], $0x2FFFF;
	_ =	strace $0x9FFFFFFF  }
0xc3: {  	(tm) =	ssettm $0x7FFFFFFF  }
tec
execute0_lowered:
.L_overlay_start_1:
0x0: {  	(tag) =	ssettag $0x1  }
0x1: {  	s0 =	rddreg [dreg:$0x0]  }
0x2: {  	s1 =	rddreg [dreg:$0x1]  }
0x3: {  	s2 =	rddreg [dreg:$0x2]  }
0x4: {  	s3 =	simm.s32 $0x0;
	s4 =	srdreg.scid;
	s21 =	stileid.u32  }
0x5: {  	s28 =	simm.s32 $0x5100;
	s29 =	simm.s32 $0x80;
	s12 =	smul.u32 $0x280, s21  }
0x6: {  	s30 =	simm.s32 $0x1;
	s31 =	simm.s32 $0x2;
	s14 =	smul.u32 $0xA000, s21  }
0x7: {  	[smem:$0x7FF] =	sst s3;
	s4 =	sand.u32 $0x1, s4;
	s16 =	smul.u32 $0x2800, s21  }
0x8: {  	s5 =	sadd.s32 $0x14A00, s0;
	s6 =	sadd.s32 $0x28400, s0;
	s20 =	smul.u32 $0x4E, s21  }
0x9: {  	s7 =	sadd.s32 $0x2D400, s0;
	s8 =	sadd.s32 $0xAC00, s0;
	s10 =	smul.u32 $0x14000, s4  }
0xa: {  	s9 =	sadd.s32 $0xE00, s0;
	p0 =	slt.u32 s21, $0x2;
	s11 =	smul.u32 $0x5000, s4  }
0xb: {  	_ =	strace $0x80000047;
	s13 =	ssub.s32 $0x2, s4;
	s4 =	smul.u32 $0x4E2, s4  }
0xc: {  	s15 =	sshrl.u32 s13, $0x1;
	s22 =	sadd.s32 $0x80, s12;
	s19 =	sadd.s32 $0x100, s12  }
0xd: {  	s24 =	sadd.s32 $0x180, s12;
	s12 =	sadd.s32 $0x200, s12;
	s17 =	sadd.s32 s10, s0  }
0xe: {  	s0 =	sadd.s32 s11, s0;
	s13 =	ssub.s32 s13, s15;
	s10 =	sadd.s32 s14, s1  }
0xf: {  	s11 =	sadd.s32 s16, s2;
	s18 =	sshll.u32 s22, $0x6;
	s15 =	sshll.u32 s22, $0x4  }
0x10: {  	s23 =	sshll.u32 s19, $0x6;
	s25 =	sshll.u32 s19, $0x4;
	s26 =	sshll.u32 s24, $0x6  }
0x11: {  	s4 =	sadd.s32 s20, s4;
	s20 =	smin.u32 s21, $0x2;
	s22 =	sshll.u32 s12, $0x6  }
0x12: {  	s12 =	sshll.u32 s12, $0x4;
	s14 =	sshrl.u32 s14, $0x3;
	s18 =	sadd.s32 s18, s1  }
0x13: {  	s15 =	sadd.s32 s15, s2;
	s19 =	sadd.s32 s26, s1;
	[dreg:$0x4] =	wrdreg s18  }
0x14: {  	s0 =	sadd.s32 $0x5A400, s0;
	s26 =	smax.u32 s13, $0x1;
	[dreg:$0x5] =	wrdreg s15  }
0x15: {  	s13 =	simm.s32 $0x3;
	s15 =	sadd.s32 s23, s1;
	[dreg:$0x8] =	wrdreg s19  }
0x16: {  	s18 =	sadd.s32 s25, s2;
	s23 =	sadd.s32 $0x32400, s17;
	[dreg:$0xd] =	wrdreg s26  }
0x17: {  	s25 =	sshrl.u32 s16, $0x3;
	s26 =	simm.s32 $0x4;
	[dreg:$0x6] =	wrdreg s15  }
0x18: {  	[dreg:$0x7] =	wrdreg s18;
	s15 =	sshll.u32 s24, $0x4;
	s18 =	sadd.s32 s20, s4  }
0x19: {  	s14 =	sadd.s32 s14, s23;
	s20 =	simm.s32 $0x4F;
	s4 =	sadd.s32 s22, s1  }
.Ltmp0:
0x1a: {  	s24 =	sadd.s32 s12, s2;
	[dreg:$0xa] =	wrdreg s14;
	(pc) =	sbr.rel .LBB2_1-.Ltmp0, $4  }
0x1b: {  	s0 =	sadd.s32 s25, s0;
	s25 =	simm.s32 $0x3100;
	[dreg:$0xb] =	wrdreg s4  }
0x1c: {  	s12 =	simm.s32 $0x2900;
	s15 =	sadd.s32 s15, s2;
	[dreg:$0xc] =	wrdreg s24  }
0x1d: {  	v1 =	vlaneseq.u32;
	s20 =	simm.s32 @!p0 $0x4E;
	[dreg:$0xe] =	wrdreg s0;
	s0 =	simm.s32 $0x100  }
0x1e: {  	v0 =	vimm.f32 $0.0e+00;
	v1 =	vand.u32 $0x7, v1;
	s4 =	simm.s32 $0x2100;
	s14 =	simm.s32 $0x5;
	[dreg:$0x9] =	wrdreg s15  }
.LBB2_9:
0x1f: {  	s15 =	stileid.u32  }
0x20: {  	[bflag:$0x0] =	sbarrier.arrive $0xFFFF;
	s15 =	sshll.u32 s15, $0x6  }
0x21: {  	s16 =	sshrl.u32 s10, $0x3;
	s17 =	rddreg [dreg:$0xa];
	s15 =	sor.u32 $0x1C04, s15  }
0x22: {  	[hbm:s17], [sflag:s15] =	dma.local [spmem:s16], $0x1400  }
0x23: {  	_ =	swait.ge [sflag:s26], $0x1400  }
0x24: {  	[sflag:s26] =	ssyncset.done $0x0  }
0x25: {  	s22 =	sshrl.u32 s11, $0x3;
	s23 =	rddreg [dreg:$0xe];
	[sflag:s26] =	ssyncadd.s32 $0xFFFFEC00  }
0x26: {  	[hbm:s23], [sflag:s15] =	dma.local [spmem:s22], $0x500  }
0x27: {  	_ =	swait.ge [sflag:s26], $0x500  }
0x28: {  	s3 =	sadd.s32 $0x1, s3;
	s24 =	rddreg [dreg:$0xd]  }
0x29: {  	p0 =	sne.s32 s3, s24  }
.Ltmp1:
0x2a: {  	_ = 	snop;
	(pc) =	sbr.rel @!p0 .LBB2_10-.Ltmp1, $3  }
0x2b: {  	_ =	sdelay $0x1  }
0x2c: {  	[sflag:s26] =	ssyncset.done $0x0  }
0x2d: {  	[sflag:s26] =	ssyncadd.s32 $0xFFFFFB00  }
.LBB2_1:
0x2e: {  	s15 =	simm.s32 $0x3120  }
0x2f: {  	[tilespmem:s15+$0x0] =	vst v0  }
0x30: {  	[tilespmem:s15+$0xFFFFFFE0] =	vst v0  }
0x31: {  	[tilespmem:s15+$0x10] =	vst v0  }
0x32: {  	s16 =	simm.s32 $0x40;
	s17 =	simm.s32 $0x0;
	[tilespmem:s15+$0xFFFFFFF0] =	vst v0  }
.LBB2_2:
0x33: {  	p0 =	sne.s32 s16, $0x1FC0  }
0x34: {  	[tilespmem:s17+$0x5100] =	vst v0;
	s15 =	sadd.s32 $0x40, s15;
	s17 =	smov.u32 s16;
	s16 =	sadd.s32 $0x40, s16  }
.Ltmp2:
0x35: {  	[tilespmem:s15+$0x0] =	vst v0;
	(pc) =	sbr.rel @p0 .LBB2_2-.Ltmp2, $4  }
0x36: {  	_ = 	snop  }
0x37: {  	[tilespmem:s15+$0xFFFFFFE0] =	vst v0  }
0x38: {  	[tilespmem:s15+$0x10] =	vst v0  }
0x39: {  	s17 =	sshra.s32 s17, $0x2;
	[tilespmem:s15+$0xFFFFFFF0] =	vst v0  }
0x3a: {  	[tilespmem:s17+$0x5100] =	vst v0  }
0x3b: {  	[spmem:s10] =	stream.linear.scatter [tilespmem:s25], [sflag:$0x4], $0x2000, $0x38;
	[tilespmem:$0x12100] =	vst v63  }
0x3c: {  	_ =	swait.ge [sflag:s26], $0x2000  }
0x3d: {  	[sflag:s26] =	ssyncset.done $0x0  }
0x3e: {  	[sflag:s26] =	ssyncadd.s32 $0xFFFFE000  }
0x3f: {  	[spmem:s11] =	stream.linear.scatter [tilespmem:s28], [sflag:$0x4], $0x800, $0x38;
	[tilespmem:$0x12100] =	vst v63  }
0x40: {  	_ =	swait.ge [sflag:s26], $0x800  }
0x41: {  	[sflag:s26] =	ssyncset.done $0x0  }
0x42: {  	s15 =	rddreg [dreg:$0x4];
	[sflag:s26] =	ssyncadd.s32 $0xFFFFF800  }
0x43: {  	[spmem:s15] =	stream.linear.scatter [tilespmem:s25], [sflag:$0x4], $0x2000, $0x38;
	[tilespmem:$0x12100] =	vst v63  }
0x44: {  	_ =	swait.ge [sflag:s26], $0x2000  }
0x45: {  	[sflag:s26] =	ssyncset.done $0x0  }
0x46: {  	s16 =	rddreg [dreg:$0x5];
	[sflag:s26] =	ssyncadd.s32 $0xFFFFE000  }
0x47: {  	[spmem:s16] =	stream.linear.scatter [tilespmem:s28], [sflag:$0x4], $0x800, $0x38;
	[tilespmem:$0x12100] =	vst v63  }
0x48: {  	_ =	swait.ge [sflag:s26], $0x800  }
0x49: {  	[sflag:s26] =	ssyncset.done $0x0  }
0x4a: {  	s17 =	rddreg [dreg:$0x6];
	[sflag:s26] =	ssyncadd.s32 $0xFFFFF800  }
0x4b: {  	[spmem:s17] =	stream.linear.scatter [tilespmem:s25], [sflag:$0x4], $0x2000, $0x38;
	[tilespmem:$0x12100] =	vst v63  }
0x4c: {  	_ =	swait.ge [sflag:s26], $0x2000  }
0x4d: {  	[sflag:s26] =	ssyncset.done $0x0  }
0x4e: {  	s19 =	rddreg [dreg:$0x7];
	[sflag:s26] =	ssyncadd.s32 $0xFFFFE000  }
0x4f: {  	[spmem:s19] =	stream.linear.scatter [tilespmem:s28], [sflag:$0x4], $0x800, $0x38;
	[tilespmem:$0x12100] =	vst v63  }
0x50: {  	_ =	swait.ge [sflag:s26], $0x800  }
0x51: {  	[sflag:s26] =	ssyncset.done $0x0  }
0x52: {  	s21 =	rddreg [dreg:$0x8];
	[sflag:s26] =	ssyncadd.s32 $0xFFFFF800  }
0x53: {  	[spmem:s21] =	stream.linear.scatter [tilespmem:s25], [sflag:$0x4], $0x2000, $0x38;
	[tilespmem:$0x12100] =	vst v63  }
0x54: {  	_ =	swait.ge [sflag:s26], $0x2000  }
0x55: {  	[sflag:s26] =	ssyncset.done $0x0  }
0x56: {  	s22 =	rddreg [dreg:$0x9];
	[sflag:s26] =	ssyncadd.s32 $0xFFFFE000  }
0x57: {  	[spmem:s22] =	stream.linear.scatter [tilespmem:s28], [sflag:$0x4], $0x800, $0x38;
	[tilespmem:$0x12100] =	vst v63  }
0x58: {  	_ =	swait.ge [sflag:s26], $0x800  }
0x59: {  	[sflag:s26] =	ssyncset.done $0x0  }
0x5a: {  	s23 =	rddreg [dreg:$0xb];
	[sflag:s26] =	ssyncadd.s32 $0xFFFFF800  }
0x5b: {  	[spmem:s23] =	stream.linear.scatter [tilespmem:s25], [sflag:$0x4], $0x2000, $0x38;
	[tilespmem:$0x12100] =	vst v63  }
0x5c: {  	_ =	swait.ge [sflag:s26], $0x2000  }
0x5d: {  	[sflag:s26] =	ssyncset.done $0x0  }
0x5e: {  	s24 =	rddreg [dreg:$0xc];
	[sflag:s26] =	ssyncadd.s32 $0xFFFFE000  }
0x5f: {  	[spmem:s24] =	stream.linear.scatter [tilespmem:s28], [sflag:$0x4], $0x800, $0x38;
	[tilespmem:$0x12100] =	vst v63  }
.Ltmp3:
0x60: {  	_ =	swait.ge [sflag:s26], $0x800;
	(pc) =	sbr.rel .LBB2_4-.Ltmp3, $4  }
0x61: {  	[sflag:s26] =	ssyncset.done $0x0  }
0x62: {  	[sflag:s26] =	ssyncadd.s32 $0xFFFFF800  }
0x63: {  	[bflag:$0x0] =	sbarrier.arrive $0xFFFF  }
0x64: {  	s15 =	simm.s32 $0x0  }
.LBB2_8:
0x65: {  	s15 =	sadd.s32 $0x1, s15  }
0x66: {  	p0 =	sne.s32 s15, $0x4F  }
.Ltmp4:
0x67: {  	_ = 	snop;
	(pc) =	sbr.rel @!p0 .LBB2_9-.Ltmp4, $1  }
0x68: {  	_ =	sdelay $0x3  }
.LBB2_4:
0x69: {  	p0 =	sge.u32 s15, s20  }
.Ltmp5:
0x6a: {  	_ = 	snop;
	(pc) =	sbr.rel @p0 .LBB2_8-.Ltmp5, $1  }
0x6b: {  	_ =	sdelay $0x3  }
0x6c: {  	s16 =	sadd.s32 s15, s18  }
0x6d: {  	s16 =	sshll.u32 s16, $0x4  }
0x6e: {  	s16 =	sand.u32 $0x1FFFFFF0, s16  }
0x6f: {  	s19 =	simm.s32 $0x0;
	s17 =	sadd.s32 s8, s16  }
0x70: {  	[tilespmem:s19], [sflag:$0x1] =	stream.linear.gather [hbm4b:s17+s19], $0x80, $0x38;
	[tilespmem:$0x12100] =	vst v63  }
0x71: {  	s16 =	sadd.s32 s9, s16  }
0x72: {  	[tilespmem:s29], [sflag:$0x2] =	stream.linear.gather [hbm4b:s16+s19], $0x80, $0x38;
	[tilespmem:$0x12100] =	vst v63  }
0x73: {  	_ =	swait.ge [sflag:s30], $0x80  }
0x74: {  	[sflag:s30] =	ssyncset.done $0x0  }
0x75: {  	[sflag:s30] =	ssyncadd.s32 $0xFFFFFF80  }
0x76: {  	_ =	swait.ge [sflag:s31], $0x80  }
0x77: {  	[sflag:s31] =	ssyncset.done $0x0  }
0x78: {  	[sflag:s31] =	ssyncadd.s32 $0xFFFFFF80  }
0x79: {  	[tilespmem:s0], [sflag:$0x1] =	stream.indirect.gather [hbm4b:s5+s29], $0x40, s19, s29, $0xb8;
	[tilespmem:$0x12100] =	vst v63  }
0x7a: {  	_ = 	snop  }
0x7b: {  	[tilespmem:s4], [sflag:$0x2] =	stream.indirect.gather [hbm4b:s6+s29], $0x10, s19, s29, $0xb8;
	[tilespmem:$0x12100] =	vst v63  }
0x7c: {  	_ = 	snop  }
0x7d: {  	[tilespmem:s12], [sflag:$0x3] =	stream.indirect.gather [hbm4b:s7+s29], $0x10, s29, s29, $0xb8;
	[tilespmem:$0x12100] =	vst v63  }
0x7e: {  	_ =	swait.ge [sflag:s30], $0x2000  }
0x7f: {  	[sflag:s30] =	ssyncset.done $0x0  }
0x80: {  	[sflag:s30] =	ssyncadd.s32 $0xFFFFE000  }
0x81: {  	_ =	swait.ge [sflag:s31], $0x800  }
0x82: {  	[sflag:s31] =	ssyncset.done $0x0  }
0x83: {  	[sflag:s31] =	ssyncadd.s32 $0xFFFFF800  }
0x84: {  	_ =	swait.ge [sflag:s13], $0x800  }
0x85: {  	[sflag:s13] =	ssyncset.done $0x0  }
0x86: {  	s16 =	simm.s32 $0x0;
	[sflag:s13] =	ssyncadd.s32 $0xFFFFF800  }
0x87: {  	v2 =	vld [tilespmem:s16+$0x2100]  }
0x88: {  	v3 =	vld [tilespmem:s16+$0x2900];
	_ =	sdelay $0x4  }
0x89: {  	v2 =	vadd.f32 v3, v2;
	_ =	sdelay $0x1  }
0x8a: {  	v3 =	vmul.f32 $2.000000030e-01, v2;
	_ =	sdelay $0x1  }
0x8b: {  	v2 =	vmax.f32 v2, v3  }
0x8c: {  	v2 =	vmul.f32 $1.442695020e+00, v2;
	_ =	sdelay $0x1  }
0x8d: {  	(erf) = vpow2.f32 v2;
	_ =	sdelay $0x5  }
0x8e: {  	s24 =	simm.s32 $0x120  }
0x8f: {  	v3 =	vld [tilespmem:s24+$0xFFFFFFE0];
	_ =	sdelay $0x1  }
0x90: {  	v2 =	vpop (erf)  }
0x91: {  	v4 =	vperm.xlane v2, v1;
	_ =	sdelay $0x1  }
0x92: {  	v3 =	vmul.f32 v3, v4  }
0x93: {  	s17 =	simm.s32 $0x3120  }
0x94: {  	[tilespmem:s17+$0xFFFFFFE0] =	vst v3  }
0x95: {  	v3 =	vld [tilespmem:s24+$0xFFFFFFF0];
	_ =	sdelay $0x4  }
0x96: {  	v3 =	vmul.f32 v3, v4;
	_ =	sdelay $0x1  }
0x97: {  	[tilespmem:s17+$0xFFFFFFF0] =	vst v3  }
0x98: {  	v3 =	vld [tilespmem:s24+$0x0];
	_ =	sdelay $0x4  }
0x99: {  	v3 =	vmul.f32 v3, v4;
	_ =	sdelay $0x1  }
0x9a: {  	[tilespmem:s17+$0x0] =	vst v3  }
0x9b: {  	v3 =	vld [tilespmem:s24+$0x10];
	_ =	sdelay $0x4  }
0x9c: {  	s21 =	simm.s32 $0x40;
	s22 =	simm.s32 $0x80;
	s19 =	simm.s32 $0x160;
	v3 =	vmul.f32 v3, v4  }
.LBB2_6:
0x9d: {  	s24 =	sshra.s32 s21, $0x2  }
0x9e: {  	[tilespmem:s17+$0x10] =	vst v3;
	s17 =	sadd.s32 $0x40, s17;
	s21 =	smov.u32 s22;
	s23 =	sadd.s32 $0x40, s22  }
0x9f: {  	p0 =	sne.s32 s22, $0x1FC0;
	v3 =	vld [tilespmem:s24+$0x2100];
	[tilespmem:s16+$0x5100] =	vst v2;
	s16 =	smov.u32 s24  }
0xa0: {  	v2 =	vld [tilespmem:s16+$0x2900];
	_ =	sdelay $0x4  }
0xa1: {  	v2 =	vadd.f32 v2, v3;
	_ =	sdelay $0x1  }
0xa2: {  	v3 =	vmul.f32 $2.000000030e-01, v2;
	_ =	sdelay $0x1  }
0xa3: {  	v2 =	vmax.f32 v2, v3  }
0xa4: {  	v2 =	vmul.f32 $1.442695020e+00, v2;
	_ =	sdelay $0x1  }
0xa5: {  	(erf) = vpow2.f32 v2;
	_ =	sdelay $0x5  }
0xa6: {  	v3 =	vld [tilespmem:s19+$0xFFFFFFE0];
	_ =	sdelay $0x2  }
0xa7: {  	v2 =	vpop (erf)  }
0xa8: {  	v4 =	vperm.xlane v2, v1;
	_ =	sdelay $0x1  }
0xa9: {  	v3 =	vmul.f32 v3, v4;
	_ =	sdelay $0x1  }
0xaa: {  	[tilespmem:s17+$0xFFFFFFE0] =	vst v3  }
0xab: {  	v3 =	vld [tilespmem:s19+$0xFFFFFFF0];
	_ =	sdelay $0x4  }
0xac: {  	v3 =	vmul.f32 v3, v4;
	_ =	sdelay $0x1  }
0xad: {  	[tilespmem:s17+$0xFFFFFFF0] =	vst v3  }
0xae: {  	v3 =	vld [tilespmem:s19+$0x0];
	_ =	sdelay $0x4  }
0xaf: {  	v3 =	vmul.f32 v3, v4;
	_ =	sdelay $0x1  }
0xb0: {  	[tilespmem:s17+$0x0] =	vst v3  }
0xb1: {  	v3 =	vld [tilespmem:s19+$0x10];
	_ =	sdelay $0x1  }
.Ltmp6:
0xb2: {  	(pc) =	sbr.rel @p0 .LBB2_6-.Ltmp6, $3  }
0xb3: {  	_ =	sdelay $0x1  }
0xb4: {  	v3 =	vmul.f32 v3, v4  }
0xb5: {  	s22 =	smov.u32 s23;
	s19 =	sadd.s32 $0x40, s19  }
0xb6: {  	s21 =	sshra.s32 s21, $0x2;
	[tilespmem:s17+$0x10] =	vst v3  }
0xb7: {  	v3 =	vld [tilespmem:s21+$0x2100];
	[tilespmem:s16+$0x5100] =	vst v2  }
0xb8: {  	v2 =	vld [tilespmem:s21+$0x2900];
	_ =	sdelay $0x4  }
0xb9: {  	v2 =	vadd.f32 v2, v3;
	_ =	sdelay $0x1  }
0xba: {  	v3 =	vmul.f32 $2.000000030e-01, v2;
	_ =	sdelay $0x1  }
0xbb: {  	v2 =	vmax.f32 v2, v3  }
0xbc: {  	v2 =	vmul.f32 $1.442695020e+00, v2;
	_ =	sdelay $0x1  }
0xbd: {  	(erf) = vpow2.f32 v2;
	_ =	sdelay $0x6  }
0xbe: {  	v2 =	vld [tilespmem:s19+$0xFFFFFFE0];
	_ =	sdelay $0x1  }
0xbf: {  	v3 =	vpop (erf)  }
0xc0: {  	v4 =	vperm.xlane v3, v1;
	_ =	sdelay $0x1  }
0xc1: {  	v2 =	vmul.f32 v2, v4  }
0xc2: {  	s24 =	sadd.s32 $0x40, s17  }
0xc3: {  	[tilespmem:s24+$0xFFFFFFE0] =	vst v2  }
0xc4: {  	v2 =	vld [tilespmem:s19+$0xFFFFFFF0];
	_ =	sdelay $0x4  }
0xc5: {  	v2 =	vmul.f32 v2, v4;
	_ =	sdelay $0x1  }
0xc6: {  	[tilespmem:s24+$0xFFFFFFF0] =	vst v2  }
0xc7: {  	v2 =	vld [tilespmem:s19+$0x0];
	_ =	sdelay $0x4  }
0xc8: {  	v2 =	vmul.f32 v2, v4;
	_ =	sdelay $0x1  }
0xc9: {  	[tilespmem:s24+$0x0] =	vst v2  }
0xca: {  	v2 =	vld [tilespmem:s19+$0x10];
	_ =	sdelay $0x4  }
0xcb: {  	v2 =	vmul.f32 v2, v4;
	_ =	sdelay $0x1  }
0xcc: {  	[tilespmem:s24+$0x10] =	vst v2  }
0xcd: {  	[tilespmem:s21+$0x5100] =	vst v3  }
0xce: {  	[spmem:s1] =	stream.indirect.scatter.add.f32 [tilespmem:s25], [sflag:$0x5], $0x40, s29, s29, $0xb8;
	[tilespmem:$0x12100] =	vst v63  }
0xcf: {  	_ =	swait.ge [sflag:s14], $0x2000  }
0xd0: {  	[sflag:s14] =	ssyncset.done $0x0  }
.Ltmp7:
0xd1: {  	[sflag:s14] =	ssyncadd.s32 $0xFFFFE000;
	(pc) =	sbr.rel .LBB2_8-.Ltmp7, $4  }
0xd2: {  	[spmem:s2] =	stream.indirect.scatter.add.f32 [tilespmem:s28], [sflag:$0x4], $0x10, s29, s29, $0xb8;
	[tilespmem:$0x12100] =	vst v63  }
0xd3: {  	_ =	swait.ge [sflag:s26], $0x800  }
0xd4: {  	[sflag:s26] =	ssyncset.done $0x0  }
0xd5: {  	[sflag:s26] =	ssyncadd.s32 $0xFFFFF800  }
.LBB2_10:
0xd6: {  	_ =	sfence.sel $0x180000  }
0xd7: {  	[bflag:$0x0] =	sbarrier.arrive $0xFFFF  }
0xd8: {  	_ =	strace $0x90000047  }
0xd9: {  	s0 =	stileid.u32;
	[bflag:$0x2] =	sbarrier.arrive $0xFFFF  }
0xda: {  	p0 =	sne.s32 s0, $0x0;
	s0 =	rddreg [dreg:$0x3]  }
0xdb: {  	s0 =	sadd.s32 @!p0 $0x100000, s0  }
0xdc: {  	[sflag:s0] =	ssyncadd.tile.s32 @!p0 $0x1;
	_ =	shalt  }
.Lfunc_end2:
_tile_overlayer_lowered:
.L_overlay_start_2:
0xdd: {  	(tag) =	ssettag $0x2  }
0xde: {  	s0 =	rddreg [dreg:$0x0];
	s2 =	stileid.u32  }
0xdf: {  	s1 =	rddreg [dreg:$0x1];
	p0 =	sne.s32 s2, $0x0  }
0xe0: {  	s3 =	rddreg [dreg:$0x2];
	[bflag:$0x3] =	sbarrier.arrive $0xFFFF;
	s2 =	simm.s32 @!p0 $0x1C04  }
0xe1: {  	[timem:s3], [sflag:s2] =	dma.local @!p0 [hbm:s0], s1  }
0xe2: {  	s0 =	simm.s32 @!p0 $0x4  }
0xe3: {  	_ =	swait.ge @!p0 [sflag:s0], s1  }
0xe4: {  	s1 =	ssub.s32 @!p0 $0x0, s1;
	[sflag:s0] =	ssyncset.done @!p0 $0x0  }
0xe5: {  	[sflag:s0] =	ssyncadd.s32 @!p0 s1  }
0xe6: {  	[bflag:$0x3] =	sbarrier.arrive $0xFFFF  }
0xe7: {  	_ =	shalt  }

</sc_bundles>
